<compile_context>
chip_gen: v7x
topology: tpu7x:2x2x1
jax: 0.10.2.dev20260603
libtpu: 0.0.44.dev20260713+nightly
codegen_flags: <defaults>
</compile_context>

<pallas_src>
import functools

import jax
import jax.numpy as jnp
from jax import lax
from jax.experimental import pallas as pl
from jax.experimental.pallas import tpu as pltpu
from jax.experimental.pallas import tpu_sc as plsc

_TEMPERATURE = 0.1
_BLK = 40000

_NC, _NS = 2, 16
_GATHER_WORKERS = 16


def _argmax_body(emb_ref, q_ref, idx_out, max_sc, idx_sc):
    i = pl.program_id(0)
    k = pl.num_programs(0)
    blk = q_ref.shape[0]

    @pl.when(i == 0)
    def _init():
        max_sc[...] = jnp.full(max_sc.shape, -jnp.inf, max_sc.dtype)
        idx_sc[...] = jnp.zeros(idx_sc.shape, idx_sc.dtype)

    q = q_ref[...]
    e = emb_ref[...]
    sim_t = lax.dot_general(
        q, e, (((1,), (1,)), ((), ())),
        preferred_element_type=jnp.float32,
    )
    blk_max = jnp.max(sim_t, axis=0, keepdims=True)
    blk_idx = (jnp.argmax(sim_t, axis=0).astype(jnp.int32)[None, :]
               + i * blk)
    better = blk_max > max_sc[...]
    max_sc[...] = jnp.where(better, blk_max, max_sc[...])
    idx_sc[...] = jnp.where(better, blk_idx, idx_sc[...])

    @pl.when(i == k - 1)
    def _done():
        idx_out[...] = idx_sc[...]


def _nn_argmax(embedding, queue):
    n_queue = queue.shape[0]
    grid = n_queue // _BLK
    idx = pl.pallas_call(
        _argmax_body,
        grid=(grid,),
        in_specs=[
            pl.BlockSpec((embedding.shape[0], embedding.shape[1]),
                         lambda i: (0, 0)),
            pl.BlockSpec((_BLK, queue.shape[1]), lambda i: (i, 0)),
        ],
        out_specs=pl.BlockSpec((1, embedding.shape[0]), lambda i: (0, 0)),
        out_shape=jax.ShapeDtypeStruct((1, embedding.shape[0]), jnp.int32),
        scratch_shapes=[
            pltpu.VMEM((1, embedding.shape[0]), jnp.float32),
            pltpu.VMEM((1, embedding.shape[0]), jnp.int32),
        ],
        compiler_params=pltpu.CompilerParams(
            dimension_semantics=("arbitrary",),
            vmem_limit_bytes=61_000_000),
    )(embedding, queue)
    return idx.reshape(embedding.shape[0])


def _sc_gather(queue, nn_idx):
    n_rows = nn_idx.shape[0]
    per_w = n_rows // _GATHER_WORKERS
    d = queue.shape[1]
    mesh = plsc.VectorSubcoreMesh(core_axis_name="c", subcore_axis_name="s")

    @functools.partial(
        pl.kernel,
        mesh=mesh,
        out_type=jax.ShapeDtypeStruct((n_rows, d), jnp.float32),
        scratch_types=[
            pltpu.VMEM((16,), jnp.int32),
            pltpu.VMEM((per_w, d), jnp.float32),
            pltpu.SemaphoreType.DMA,
        ],
        compiler_params=pltpu.CompilerParams(needs_layout_passes=False),
    )
    def gather_k(idx_hbm, table_hbm, out_hbm, idx_v, rows_v, sem):
        wid = lax.axis_index("s") * _NC + lax.axis_index("c")

        @pl.when(wid < _GATHER_WORKERS)
        def _():
            base = wid * per_w
            pltpu.sync_copy(idx_hbm.at[pl.ds(base, per_w)],
                            idx_v.at[pl.ds(0, per_w)])
            lane = lax.broadcasted_iota(jnp.int32, (16,), 0)
            idx_vec = idx_v[...]
            copies = []
            for j in range(per_w):
                sj = jnp.max(jnp.where(lane == j, idx_vec, 0))
                copies.append(pltpu.async_copy(
                    table_hbm.at[pl.ds(sj, 1)],
                    rows_v.at[pl.ds(j, 1)], sem))
            for c in copies:
                c.wait()
            pltpu.sync_copy(rows_v, out_hbm.at[pl.ds(base, per_w)])

    return gather_k(nn_idx, queue)


def _loss_body(nn_ref, preds_ref, out_ref):
    half = nn_ref.shape[0] // 2
    nn_a = nn_ref[0:half, :]
    nn_b = nn_ref[half:, :]
    p_a = preds_ref[0:half, :]
    p_b = preds_ref[half:, :]
    inv_t = jnp.float32(1.0 / _TEMPERATURE)
    dims = (((1,), (1,)), ((), ()))
    logits_ab = lax.dot_general(
        nn_a, p_b, dims, preferred_element_type=jnp.float32) * inv_t
    logits_ba = lax.dot_general(
        nn_b, p_a, dims, preferred_element_type=jnp.float32) * inv_t

    eye = (lax.broadcasted_iota(jnp.int32, (half, half), 0)
           == lax.broadcasted_iota(jnp.int32, (half, half), 1))

    def ce(logits):
        m = jnp.max(logits, axis=1, keepdims=True)
        lse = m + jnp.log(jnp.sum(jnp.exp(logits - m), axis=1, keepdims=True))
        diag = jnp.sum(jnp.where(eye, logits, 0.0), axis=1, keepdims=True)
        return -jnp.mean(diag - lse)

    out_ref[...] = (0.5 * ce(logits_ab) + 0.5 * ce(logits_ba)).reshape(1, 1)


def _loss(nn_rows, preds):
    out = pl.pallas_call(
        _loss_body,
        in_specs=[
            pl.BlockSpec(nn_rows.shape, lambda: (0, 0)),
            pl.BlockSpec(preds.shape, lambda: (0, 0)),
        ],
        out_specs=pl.BlockSpec((1, 1), lambda: (0, 0)),
        out_shape=jax.ShapeDtypeStruct((1, 1), jnp.float32),
    )(nn_rows, preds)
    return out.reshape(())


def kernel(embedding, preds, queue):
    nn_idx = _nn_argmax(embedding, queue)
    nn_rows = _sc_gather(queue, nn_idx)
    return _loss(nn_rows, preds)

# --- scband reference (transcript-rebuilt; emitter-appended) ---
"""Pipeline reference for scband-nnclr-info-ncecriterion-13511967113691 (READ-ONLY COPY).

The authoritative reference and input builder live on the scoring server;
editing this copy changes nothing except your own understanding.
"""

import jax, jax.numpy as jnp
import numpy as np

TEMPERATURE = 0.1
NUM_POS = 2


def setup_inputs(seed: int = 0) -> dict:
    key = jax.random.key(seed)
    k1, k2, k3 = jax.random.split(key, 3)
    embedding = jax.random.normal(k1, (128, 64), dtype=jnp.float32)
    preds = jax.random.normal(k2, (128, 64), dtype=jnp.float32)
    queue = jax.random.normal(k3, (1000000, 64), dtype=jnp.float32)
    # buffer is L2-normalized at init, as in the torch module
    queue = queue / jnp.linalg.norm(queue, axis=1, keepdims=True)
    return {"embedding": embedding, "preds": preds, "queue": queue}


def _cross_entropy_mean(logits, labels):
    logp = jax.nn.log_softmax(logits, axis=-1)
    return -jnp.mean(jnp.take_along_axis(logp, labels[:, None], axis=1))


def reference(embedding, preds, queue):
    batch_size = embedding.shape[0]
    half = batch_size // NUM_POS
    labels = jnp.arange(half)
    # nearest-neighbor lookup against the support queue (no_grad in torch)
    sim = embedding @ queue.T  # [B, queue_size]
    nn_idx = jnp.argmax(sim, axis=1)
    nearest_neighbors = jax.lax.stop_gradient(jnp.take(queue, nn_idx, axis=0))
    nn_a = nearest_neighbors[:half]
    nn_b = nearest_neighbors[half:]
    predictions_a = preds[:half]
    predictions_b = preds[half:]
    logits_ab = (nn_a @ predictions_b.T) / TEMPERATURE
    logits_ba = (nn_b @ predictions_a.T) / TEMPERATURE
    loss = _cross_entropy_mean(logits_ab, labels) / 2 + _cross_entropy_mean(logits_ba, labels) / 2
    return loss

if __name__ == "__main__":
    import jax
    _d = setup_inputs()
    print(jax.jit(kernel)(*tuple(_d.values())))

</pallas_src>

<mosaic_0001>
#map = affine_map<(d0, d1) -> (0)>
#map1 = affine_map<(d0, d1) -> (0, 0)>
module attributes {stable_mosaic.version = 14 : i64} {
  func.func @gather_k(%arg0: i32, %arg1: i32, %arg2: memref<128xi32, #tpu.memory_space<hbm>>, %arg3: memref<1000000x64xf32, #tpu.memory_space<hbm>>, %arg4: memref<128x64xf32, #tpu.memory_space<hbm>>, %arg5: memref<16xi32, #tpu.memory_space<vmem>>, %arg6: memref<8x64xf32, #tpu.memory_space<vmem>>, %arg7: memref<!tpu.dma_semaphore, #tpu.memory_space<semaphore_mem>>) attributes {dimension_semantics = [#tpu.dimension_semantics<core_parallel>, #tpu.dimension_semantics<subcore_parallel>], iteration_bounds = array<i64: 2, 16>, scalar_prefetch = 0 : i64, scratch_operands = 3 : i64, tpu.core_type = #tpu.core_type<sc_vector_subcore>, window_params = [{transform_indices = #map}, {transform_indices = #map1}, {transform_indices = #map1}]} {
    %mul3A = arith.constant 2 : i32
    %mul3A_0 = arith.muli %arg1, %mul3A : i32
    %add3A = arith.addi %mul3A_0, %arg0 : i32
    %lt3A = arith.constant 16 : i32
    %lt3A_1 = arith.cmpi slt, %add3A, %lt3A : i32
    %convert_element_type3A = arith.extui %lt3A_1 : i1 to i32
    %cond3A = arith.constant 0 : i32
    %cond3A_2 = arith.cmpi ne, %convert_element_type3A, %cond3A : i32
    scf.if %cond3A_2 {
      %mul3A_3 = arith.constant 8 : i32
      %mul3A_4 = arith.muli %add3A, %mul3A_3 : i32
      "tpu.region"() ({
        %run_scoped3A = tpu.sem_alloc : memref<!tpu.dma_semaphore, #tpu.memory_space<semaphore_mem>>
        %dma_start3A_271 = arith.constant 0 : i32
        %dma_start3A_272 = tpu.memref_slice %arg5[%dma_start3A_271] : memref<16xi32, #tpu.memory_space<vmem>> -> memref<8xi32, #tpu.memory_space<vmem>>
        %dma_start3A_273 = tpu.memref_slice %arg2[%mul3A_4] : memref<128xi32, #tpu.memory_space<hbm>> -> memref<8xi32, #tpu.memory_space<hbm>>
        %dma_start3A_274 = arith.constant 0 : i32
        %dma_start3A_275 = tpu.memref_slice %arg5[%dma_start3A_274] : memref<16xi32, #tpu.memory_space<vmem>> -> memref<8xi32, #tpu.memory_space<vmem>>
        %dma_start3A_276 = tpu.memref_slice %arg2[%mul3A_4] : memref<128xi32, #tpu.memory_space<hbm>> -> memref<8xi32, #tpu.memory_space<hbm>>
        tpu.enqueue_dma source(%dma_start3A_276 : memref<8xi32, #tpu.memory_space<hbm>>) target(%dma_start3A_275 : memref<8xi32, #tpu.memory_space<vmem>>) target_semaphore(%run_scoped3A : memref<!tpu.dma_semaphore, #tpu.memory_space<semaphore_mem>>)
        %dma_wait3A_277 = arith.constant 0 : i32
        %dma_wait3A_278 = tpu.memref_slice %arg5[%dma_wait3A_277] : memref<16xi32, #tpu.memory_space<vmem>> -> memref<8xi32, #tpu.memory_space<vmem>>
        %dma_wait3A_279 = tpu.memref_slice %arg2[%mul3A_4] : memref<128xi32, #tpu.memory_space<hbm>> -> memref<8xi32, #tpu.memory_space<hbm>>
        %dma_wait3A_280 = arith.constant 0 : i32
        %dma_wait3A_281 = tpu.memref_slice %arg5[%dma_wait3A_280] : memref<16xi32, #tpu.memory_space<vmem>> -> memref<8xi32, #tpu.memory_space<vmem>>
        %dma_wait3A_282 = tpu.memref_slice %arg2[%mul3A_4] : memref<128xi32, #tpu.memory_space<hbm>> -> memref<8xi32, #tpu.memory_space<hbm>>
        tpu.wait_dma2 semaphore(%run_scoped3A : memref<!tpu.dma_semaphore, #tpu.memory_space<semaphore_mem>>) src(%dma_wait3A_282 : memref<8xi32, #tpu.memory_space<hbm>>) dst(%dma_wait3A_281 : memref<8xi32, #tpu.memory_space<vmem>>)
        tpu.yield
      }) : () -> ()
      %iota3A = tpu.iota {dimensions = array<i32: 0>} : vector<16xi32>
      %get3A = arith.constant 0 : index
      %get3A_5 = tpu.vector_load %arg5[%get3A] {strides = array<i32>} : memref<16xi32, #tpu.memory_space<vmem>>, vector<16xi32>,
      %eq3A = arith.constant 0 : i32
      %eq3A_6 = vector.broadcast %eq3A : i32 to vector<16xi32>
      %eq3A_7 = arith.cmpi eq, %iota3A, %eq3A_6 : vector<16xi32>
      %jit3A = arith.constant 0 : i32
      %broadcast_in_dim3A = vector.broadcast %jit3A : i32 to vector<16xi32>
      %select_n3A = arith.select %eq3A_7, %get3A_5, %broadcast_in_dim3A : vector<16xi1>, vector<16xi32>
      %reduce_max3A = arith.constant true
      %reduce_max3A_8 = vector.broadcast %reduce_max3A : i1 to vector<16xi1>
      %reduce_max3A_9 = arith.constant -2147483648 : i32
      %reduce_max3A_10 = vector.broadcast %reduce_max3A_9 : i32 to vector<16xi32>
      %reduce_max3A_11 = arith.xori %select_n3A, %reduce_max3A_10 : vector<16xi32>
      %reduce_max3A_12 = tpu.scan <max>, %reduce_max3A_11 masked %reduce_max3A_8 : vector<16xi32>, vector<16xi1> -> vector<16xi32>
      %reduce_max3A_13 = arith.xori %reduce_max3A_12, %reduce_max3A_10 : vector<16xi32>
      %reduce_max3A_14 = vector.extract %reduce_max3A_13[15] : i32 from vector<16xi32>
      %dma_start3A = arith.constant 0 : i32
      %dma_start3A_15 = arith.constant 0 : i32
      %dma_start3A_16 = tpu.memref_slice %arg6[%dma_start3A, %dma_start3A_15] : memref<8x64xf32, #tpu.memory_space<vmem>> -> memref<1x64xf32, #tpu.memory_space<vmem>>
      %dma_start3A_17 = arith.constant 0 : i32
      %dma_start3A_18 = tpu.memref_slice %arg3[%reduce_max3A_14, %dma_start3A_17] : memref<1000000x64xf32, #tpu.memory_space<hbm>> -> memref<1x64xf32, #tpu.memory_space<hbm>>
      %dma_start3A_19 = arith.constant 0 : i32
      %dma_start3A_20 = arith.constant 0 : i32
      %dma_start3A_21 = tpu.memref_slice %arg6[%dma_start3A_19, %dma_start3A_20] : memref<8x64xf32, #tpu.memory_space<vmem>> -> memref<1x64xf32, #tpu.memory_space<vmem>>
      %dma_start3A_22 = arith.constant 0 : i32
      %dma_start3A_23 = tpu.memref_slice %arg3[%reduce_max3A_14, %dma_start3A_22] : memref<1000000x64xf32, #tpu.memory_space<hbm>> -> memref<1x64xf32, #tpu.memory_space<hbm>>
      tpu.enqueue_dma source(%dma_start3A_23 : memref<1x64xf32, #tpu.memory_space<hbm>>) target(%dma_start3A_21 : memref<1x64xf32, #tpu.memory_space<vmem>>) target_semaphore(%arg7 : memref<!tpu.dma_semaphore, #tpu.memory_space<semaphore_mem>>)
      %eq3A_24 = arith.constant 1 : i32
      %eq3A_25 = vector.broadcast %eq3A_24 : i32 to vector<16xi32>
      %eq3A_26 = arith.cmpi eq, %iota3A, %eq3A_25 : vector<16xi32>
      %jit3A_27 = arith.constant 0 : i32
      %broadcast_in_dim3A_28 = vector.broadcast %jit3A_27 : i32 to vector<16xi32>
      %select_n3A_29 = arith.select %eq3A_26, %get3A_5, %broadcast_in_dim3A_28 : vector<16xi1>, vector<16xi32>
      %reduce_max3A_30 = arith.constant true
      %reduce_max3A_31 = vector.broadcast %reduce_max3A_30 : i1 to vector<16xi1>
      %reduce_max3A_32 = arith.constant -2147483648 : i32
      %reduce_max3A_33 = vector.broadcast %reduce_max3A_32 : i32 to vector<16xi32>
      %reduce_max3A_34 = arith.xori %select_n3A_29, %reduce_max3A_33 : vector<16xi32>
      %reduce_max3A_35 = tpu.scan <max>, %reduce_max3A_34 masked %reduce_max3A_31 : vector<16xi32>, vector<16xi1> -> vector<16xi32>
      %reduce_max3A_36 = arith.xori %reduce_max3A_35, %reduce_max3A_33 : vector<16xi32>
      %reduce_max3A_37 = vector.extract %reduce_max3A_36[15] : i32 from vector<16xi32>
      %dma_start3A_38 = arith.constant 1 : i32
      %dma_start3A_39 = arith.constant 0 : i32
      %dma_start3A_40 = tpu.memref_slice %arg6[%dma_start3A_38, %dma_start3A_39] : memref<8x64xf32, #tpu.memory_space<vmem>> -> memref<1x64xf32, #tpu.memory_space<vmem>>
      %dma_start3A_41 = arith.constant 0 : i32
      %dma_start3A_42 = tpu.memref_slice %arg3[%reduce_max3A_37, %dma_start3A_41] : memref<1000000x64xf32, #tpu.memory_space<hbm>> -> memref<1x64xf32, #tpu.memory_space<hbm>>
      %dma_start3A_43 = arith.constant 1 : i32
      %dma_start3A_44 = arith.constant 0 : i32
      %dma_start3A_45 = tpu.memref_slice %arg6[%dma_start3A_43, %dma_start3A_44] : memref<8x64xf32, #tpu.memory_space<vmem>> -> memref<1x64xf32, #tpu.memory_space<vmem>>
      %dma_start3A_46 = arith.constant 0 : i32
      %dma_start3A_47 = tpu.memref_slice %arg3[%reduce_max3A_37, %dma_start3A_46] : memref<1000000x64xf32, #tpu.memory_space<hbm>> -> memref<1x64xf32, #tpu.memory_space<hbm>>
      tpu.enqueue_dma source(%dma_start3A_47 : memref<1x64xf32, #tpu.memory_space<hbm>>) target(%dma_start3A_45 : memref<1x64xf32, #tpu.memory_space<vmem>>) target_semaphore(%arg7 : memref<!tpu.dma_semaphore, #tpu.memory_space<semaphore_mem>>)
      %eq3A_48 = arith.constant 2 : i32
      %eq3A_49 = vector.broadcast %eq3A_48 : i32 to vector<16xi32>
      %eq3A_50 = arith.cmpi eq, %iota3A, %eq3A_49 : vector<16xi32>
      %jit3A_51 = arith.constant 0 : i32
      %broadcast_in_dim3A_52 = vector.broadcast %jit3A_51 : i32 to vector<16xi32>
      %select_n3A_53 = arith.select %eq3A_50, %get3A_5, %broadcast_in_dim3A_52 : vector<16xi1>, vector<16xi32>
      %reduce_max3A_54 = arith.constant true
      %reduce_max3A_55 = vector.broadcast %reduce_max3A_54 : i1 to vector<16xi1>
      %reduce_max3A_56 = arith.constant -2147483648 : i32
      %reduce_max3A_57 = vector.broadcast %reduce_max3A_56 : i32 to vector<16xi32>
      %reduce_max3A_58 = arith.xori %select_n3A_53, %reduce_max3A_57 : vector<16xi32>
      %reduce_max3A_59 = tpu.scan <max>, %reduce_max3A_58 masked %reduce_max3A_55 : vector<16xi32>, vector<16xi1> -> vector<16xi32>
      %reduce_max3A_60 = arith.xori %reduce_max3A_59, %reduce_max3A_57 : vector<16xi32>
      %reduce_max3A_61 = vector.extract %reduce_max3A_60[15] : i32 from vector<16xi32>
      %dma_start3A_62 = arith.constant 2 : i32
      %dma_start3A_63 = arith.constant 0 : i32
      %dma_start3A_64 = tpu.memref_slice %arg6[%dma_start3A_62, %dma_start3A_63] : memref<8x64xf32, #tpu.memory_space<vmem>> -> memref<1x64xf32, #tpu.memory_space<vmem>>
      %dma_start3A_65 = arith.constant 0 : i32
      %dma_start3A_66 = tpu.memref_slice %arg3[%reduce_max3A_61, %dma_start3A_65] : memref<1000000x64xf32, #tpu.memory_space<hbm>> -> memref<1x64xf32, #tpu.memory_space<hbm>>
      %dma_start3A_67 = arith.constant 2 : i32
      %dma_start3A_68 = arith.constant 0 : i32
      %dma_start3A_69 = tpu.memref_slice %arg6[%dma_start3A_67, %dma_start3A_68] : memref<8x64xf32, #tpu.memory_space<vmem>> -> memref<1x64xf32, #tpu.memory_space<vmem>>
      %dma_start3A_70 = arith.constant 0 : i32
      %dma_start3A_71 = tpu.memref_slice %arg3[%reduce_max3A_61, %dma_start3A_70] : memref<1000000x64xf32, #tpu.memory_space<hbm>> -> memref<1x64xf32, #tpu.memory_space<hbm>>
      tpu.enqueue_dma source(%dma_start3A_71 : memref<1x64xf32, #tpu.memory_space<hbm>>) target(%dma_start3A_69 : memref<1x64xf32, #tpu.memory_space<vmem>>) target_semaphore(%arg7 : memref<!tpu.dma_semaphore, #tpu.memory_space<semaphore_mem>>)
      %eq3A_72 = arith.constant 3 : i32
      %eq3A_73 = vector.broadcast %eq3A_72 : i32 to vector<16xi32>
      %eq3A_74 = arith.cmpi eq, %iota3A, %eq3A_73 : vector<16xi32>
      %jit3A_75 = arith.constant 0 : i32
      %broadcast_in_dim3A_76 = vector.broadcast %jit3A_75 : i32 to vector<16xi32>
      %select_n3A_77 = arith.select %eq3A_74, %get3A_5, %broadcast_in_dim3A_76 : vector<16xi1>, vector<16xi32>
      %reduce_max3A_78 = arith.constant true
      %reduce_max3A_79 = vector.broadcast %reduce_max3A_78 : i1 to vector<16xi1>
      %reduce_max3A_80 = arith.constant -2147483648 : i32
      %reduce_max3A_81 = vector.broadcast %reduce_max3A_80 : i32 to vector<16xi32>
      %reduce_max3A_82 = arith.xori %select_n3A_77, %reduce_max3A_81 : vector<16xi32>
      %reduce_max3A_83 = tpu.scan <max>, %reduce_max3A_82 masked %reduce_max3A_79 : vector<16xi32>, vector<16xi1> -> vector<16xi32>
      %reduce_max3A_84 = arith.xori %reduce_max3A_83, %reduce_max3A_81 : vector<16xi32>
      %reduce_max3A_85 = vector.extract %reduce_max3A_84[15] : i32 from vector<16xi32>
      %dma_start3A_86 = arith.constant 3 : i32
      %dma_start3A_87 = arith.constant 0 : i32
      %dma_start3A_88 = tpu.memref_slice %arg6[%dma_start3A_86, %dma_start3A_87] : memref<8x64xf32, #tpu.memory_space<vmem>> -> memref<1x64xf32, #tpu.memory_space<vmem>>
      %dma_start3A_89 = arith.constant 0 : i32
      %dma_start3A_90 = tpu.memref_slice %arg3[%reduce_max3A_85, %dma_start3A_89] : memref<1000000x64xf32, #tpu.memory_space<hbm>> -> memref<1x64xf32, #tpu.memory_space<hbm>>
      %dma_start3A_91 = arith.constant 3 : i32
      %dma_start3A_92 = arith.constant 0 : i32
      %dma_start3A_93 = tpu.memref_slice %arg6[%dma_start3A_91, %dma_start3A_92] : memref<8x64xf32, #tpu.memory_space<vmem>> -> memref<1x64xf32, #tpu.memory_space<vmem>>
      %dma_start3A_94 = arith.constant 0 : i32
      %dma_start3A_95 = tpu.memref_slice %arg3[%reduce_max3A_85, %dma_start3A_94] : memref<1000000x64xf32, #tpu.memory_space<hbm>> -> memref<1x64xf32, #tpu.memory_space<hbm>>
      tpu.enqueue_dma source(%dma_start3A_95 : memref<1x64xf32, #tpu.memory_space<hbm>>) target(%dma_start3A_93 : memref<1x64xf32, #tpu.memory_space<vmem>>) target_semaphore(%arg7 : memref<!tpu.dma_semaphore, #tpu.memory_space<semaphore_mem>>)
      %eq3A_96 = arith.constant 4 : i32
      %eq3A_97 = vector.broadcast %eq3A_96 : i32 to vector<16xi32>
      %eq3A_98 = arith.cmpi eq, %iota3A, %eq3A_97 : vector<16xi32>
      %jit3A_99 = arith.constant 0 : i32
      %broadcast_in_dim3A_100 = vector.broadcast %jit3A_99 : i32 to vector<16xi32>
      %select_n3A_101 = arith.select %eq3A_98, %get3A_5, %broadcast_in_dim3A_100 : vector<16xi1>, vector<16xi32>
      %reduce_max3A_102 = arith.constant true
      %reduce_max3A_103 = vector.broadcast %reduce_max3A_102 : i1 to vector<16xi1>
      %reduce_max3A_104 = arith.constant -2147483648 : i32
      %reduce_max3A_105 = vector.broadcast %reduce_max3A_104 : i32 to vector<16xi32>
      %reduce_max3A_106 = arith.xori %select_n3A_101, %reduce_max3A_105 : vector<16xi32>
      %reduce_max3A_107 = tpu.scan <max>, %reduce_max3A_106 masked %reduce_max3A_103 : vector<16xi32>, vector<16xi1> -> vector<16xi32>
      %reduce_max3A_108 = arith.xori %reduce_max3A_107, %reduce_max3A_105 : vector<16xi32>
      %reduce_max3A_109 = vector.extract %reduce_max3A_108[15] : i32 from vector<16xi32>
      %dma_start3A_110 = arith.constant 4 : i32
      %dma_start3A_111 = arith.constant 0 : i32
      %dma_start3A_112 = tpu.memref_slice %arg6[%dma_start3A_110, %dma_start3A_111] : memref<8x64xf32, #tpu.memory_space<vmem>> -> memref<1x64xf32, #tpu.memory_space<vmem>>
      %dma_start3A_113 = arith.constant 0 : i32
      %dma_start3A_114 = tpu.memref_slice %arg3[%reduce_max3A_109, %dma_start3A_113] : memref<1000000x64xf32, #tpu.memory_space<hbm>> -> memref<1x64xf32, #tpu.memory_space<hbm>>
      %dma_start3A_115 = arith.constant 4 : i32
      %dma_start3A_116 = arith.constant 0 : i32
      %dma_start3A_117 = tpu.memref_slice %arg6[%dma_start3A_115, %dma_start3A_116] : memref<8x64xf32, #tpu.memory_space<vmem>> -> memref<1x64xf32, #tpu.memory_space<vmem>>
      %dma_start3A_118 = arith.constant 0 : i32
      %dma_start3A_119 = tpu.memref_slice %arg3[%reduce_max3A_109, %dma_start3A_118] : memref<1000000x64xf32, #tpu.memory_space<hbm>> -> memref<1x64xf32, #tpu.memory_space<hbm>>
      tpu.enqueue_dma source(%dma_start3A_119 : memref<1x64xf32, #tpu.memory_space<hbm>>) target(%dma_start3A_117 : memref<1x64xf32, #tpu.memory_space<vmem>>) target_semaphore(%arg7 : memref<!tpu.dma_semaphore, #tpu.memory_space<semaphore_mem>>)
      %eq3A_120 = arith.constant 5 : i32
      %eq3A_121 = vector.broadcast %eq3A_120 : i32 to vector<16xi32>
      %eq3A_122 = arith.cmpi eq, %iota3A, %eq3A_121 : vector<16xi32>
      %jit3A_123 = arith.constant 0 : i32
      %broadcast_in_dim3A_124 = vector.broadcast %jit3A_123 : i32 to vector<16xi32>
      %select_n3A_125 = arith.select %eq3A_122, %get3A_5, %broadcast_in_dim3A_124 : vector<16xi1>, vector<16xi32>
      %reduce_max3A_126 = arith.constant true
      %reduce_max3A_127 = vector.broadcast %reduce_max3A_126 : i1 to vector<16xi1>
      %reduce_max3A_128 = arith.constant -2147483648 : i32
      %reduce_max3A_129 = vector.broadcast %reduce_max3A_128 : i32 to vector<16xi32>
      %reduce_max3A_130 = arith.xori %select_n3A_125, %reduce_max3A_129 : vector<16xi32>
      %reduce_max3A_131 = tpu.scan <max>, %reduce_max3A_130 masked %reduce_max3A_127 : vector<16xi32>, vector<16xi1> -> vector<16xi32>
      %reduce_max3A_132 = arith.xori %reduce_max3A_131, %reduce_max3A_129 : vector<16xi32>
      %reduce_max3A_133 = vector.extract %reduce_max3A_132[15] : i32 from vector<16xi32>
      %dma_start3A_134 = arith.constant 5 : i32
      %dma_start3A_135 = arith.constant 0 : i32
      %dma_start3A_136 = tpu.memref_slice %arg6[%dma_start3A_134, %dma_start3A_135] : memref<8x64xf32, #tpu.memory_space<vmem>> -> memref<1x64xf32, #tpu.memory_space<vmem>>
      %dma_start3A_137 = arith.constant 0 : i32
      %dma_start3A_138 = tpu.memref_slice %arg3[%reduce_max3A_133, %dma_start3A_137] : memref<1000000x64xf32, #tpu.memory_space<hbm>> -> memref<1x64xf32, #tpu.memory_space<hbm>>
      %dma_start3A_139 = arith.constant 5 : i32
      %dma_start3A_140 = arith.constant 0 : i32
      %dma_start3A_141 = tpu.memref_slice %arg6[%dma_start3A_139, %dma_start3A_140] : memref<8x64xf32, #tpu.memory_space<vmem>> -> memref<1x64xf32, #tpu.memory_space<vmem>>
      %dma_start3A_142 = arith.constant 0 : i32
      %dma_start3A_143 = tpu.memref_slice %arg3[%reduce_max3A_133, %dma_start3A_142] : memref<1000000x64xf32, #tpu.memory_space<hbm>> -> memref<1x64xf32, #tpu.memory_space<hbm>>
      tpu.enqueue_dma source(%dma_start3A_143 : memref<1x64xf32, #tpu.memory_space<hbm>>) target(%dma_start3A_141 : memref<1x64xf32, #tpu.memory_space<vmem>>) target_semaphore(%arg7 : memref<!tpu.dma_semaphore, #tpu.memory_space<semaphore_mem>>)
      %eq3A_144 = arith.constant 6 : i32
      %eq3A_145 = vector.broadcast %eq3A_144 : i32 to vector<16xi32>
      %eq3A_146 = arith.cmpi eq, %iota3A, %eq3A_145 : vector<16xi32>
      %jit3A_147 = arith.constant 0 : i32
      %broadcast_in_dim3A_148 = vector.broadcast %jit3A_147 : i32 to vector<16xi32>
      %select_n3A_149 = arith.select %eq3A_146, %get3A_5, %broadcast_in_dim3A_148 : vector<16xi1>, vector<16xi32>
      %reduce_max3A_150 = arith.constant true
      %reduce_max3A_151 = vector.broadcast %reduce_max3A_150 : i1 to vector<16xi1>
      %reduce_max3A_152 = arith.constant -2147483648 : i32
      %reduce_max3A_153 = vector.broadcast %reduce_max3A_152 : i32 to vector<16xi32>
      %reduce_max3A_154 = arith.xori %select_n3A_149, %reduce_max3A_153 : vector<16xi32>
      %reduce_max3A_155 = tpu.scan <max>, %reduce_max3A_154 masked %reduce_max3A_151 : vector<16xi32>, vector<16xi1> -> vector<16xi32>
      %reduce_max3A_156 = arith.xori %reduce_max3A_155, %reduce_max3A_153 : vector<16xi32>
      %reduce_max3A_157 = vector.extract %reduce_max3A_156[15] : i32 from vector<16xi32>
      %dma_start3A_158 = arith.constant 6 : i32
      %dma_start3A_159 = arith.constant 0 : i32
      %dma_start3A_160 = tpu.memref_slice %arg6[%dma_start3A_158, %dma_start3A_159] : memref<8x64xf32, #tpu.memory_space<vmem>> -> memref<1x64xf32, #tpu.memory_space<vmem>>
      %dma_start3A_161 = arith.constant 0 : i32
      %dma_start3A_162 = tpu.memref_slice %arg3[%reduce_max3A_157, %dma_start3A_161] : memref<1000000x64xf32, #tpu.memory_space<hbm>> -> memref<1x64xf32, #tpu.memory_space<hbm>>
      %dma_start3A_163 = arith.constant 6 : i32
      %dma_start3A_164 = arith.constant 0 : i32
      %dma_start3A_165 = tpu.memref_slice %arg6[%dma_start3A_163, %dma_start3A_164] : memref<8x64xf32, #tpu.memory_space<vmem>> -> memref<1x64xf32, #tpu.memory_space<vmem>>
      %dma_start3A_166 = arith.constant 0 : i32
      %dma_start3A_167 = tpu.memref_slice %arg3[%reduce_max3A_157, %dma_start3A_166] : memref<1000000x64xf32, #tpu.memory_space<hbm>> -> memref<1x64xf32, #tpu.memory_space<hbm>>
      tpu.enqueue_dma source(%dma_start3A_167 : memref<1x64xf32, #tpu.memory_space<hbm>>) target(%dma_start3A_165 : memref<1x64xf32, #tpu.memory_space<vmem>>) target_semaphore(%arg7 : memref<!tpu.dma_semaphore, #tpu.memory_space<semaphore_mem>>)
      %eq3A_168 = arith.constant 7 : i32
      %eq3A_169 = vector.broadcast %eq3A_168 : i32 to vector<16xi32>
      %eq3A_170 = arith.cmpi eq, %iota3A, %eq3A_169 : vector<16xi32>
      %jit3A_171 = arith.constant 0 : i32
      %broadcast_in_dim3A_172 = vector.broadcast %jit3A_171 : i32 to vector<16xi32>
      %select_n3A_173 = arith.select %eq3A_170, %get3A_5, %broadcast_in_dim3A_172 : vector<16xi1>, vector<16xi32>
      %reduce_max3A_174 = arith.constant true
      %reduce_max3A_175 = vector.broadcast %reduce_max3A_174 : i1 to vector<16xi1>
      %reduce_max3A_176 = arith.constant -2147483648 : i32
      %reduce_max3A_177 = vector.broadcast %reduce_max3A_176 : i32 to vector<16xi32>
      %reduce_max3A_178 = arith.xori %select_n3A_173, %reduce_max3A_177 : vector<16xi32>
      %reduce_max3A_179 = tpu.scan <max>, %reduce_max3A_178 masked %reduce_max3A_175 : vector<16xi32>, vector<16xi1> -> vector<16xi32>
      %reduce_max3A_180 = arith.xori %reduce_max3A_179, %reduce_max3A_177 : vector<16xi32>
      %reduce_max3A_181 = vector.extract %reduce_max3A_180[15] : i32 from vector<16xi32>
      %dma_start3A_182 = arith.constant 7 : i32
      %dma_start3A_183 = arith.constant 0 : i32
      %dma_start3A_184 = tpu.memref_slice %arg6[%dma_start3A_182, %dma_start3A_183] : memref<8x64xf32, #tpu.memory_space<vmem>> -> memref<1x64xf32, #tpu.memory_space<vmem>>
      %dma_start3A_185 = arith.constant 0 : i32
      %dma_start3A_186 = tpu.memref_slice %arg3[%reduce_max3A_181, %dma_start3A_185] : memref<1000000x64xf32, #tpu.memory_space<hbm>> -> memref<1x64xf32, #tpu.memory_space<hbm>>
      %dma_start3A_187 = arith.constant 7 : i32
      %dma_start3A_188 = arith.constant 0 : i32
      %dma_start3A_189 = tpu.memref_slice %arg6[%dma_start3A_187, %dma_start3A_188] : memref<8x64xf32, #tpu.memory_space<vmem>> -> memref<1x64xf32, #tpu.memory_space<vmem>>
      %dma_start3A_190 = arith.constant 0 : i32
      %dma_start3A_191 = tpu.memref_slice %arg3[%reduce_max3A_181, %dma_start3A_190] : memref<1000000x64xf32, #tpu.memory_space<hbm>> -> memref<1x64xf32, #tpu.memory_space<hbm>>
      tpu.enqueue_dma source(%dma_start3A_191 : memref<1x64xf32, #tpu.memory_space<hbm>>) target(%dma_start3A_189 : memref<1x64xf32, #tpu.memory_space<vmem>>) target_semaphore(%arg7 : memref<!tpu.dma_semaphore, #tpu.memory_space<semaphore_mem>>)
      %dma_wait3A = arith.constant 0 : i32
      %dma_wait3A_192 = arith.constant 0 : i32
      %dma_wait3A_193 = tpu.memref_slice %arg6[%dma_wait3A, %dma_wait3A_192] : memref<8x64xf32, #tpu.memory_space<vmem>> -> memref<1x64xf32, #tpu.memory_space<vmem>>
      %dma_wait3A_194 = arith.constant 0 : i32
      %dma_wait3A_195 = tpu.memref_slice %arg3[%reduce_max3A_14, %dma_wait3A_194] : memref<1000000x64xf32, #tpu.memory_space<hbm>> -> memref<1x64xf32, #tpu.memory_space<hbm>>
      %dma_wait3A_196 = arith.constant 0 : i32
      %dma_wait3A_197 = arith.constant 0 : i32
      %dma_wait3A_198 = tpu.memref_slice %arg6[%dma_wait3A_196, %dma_wait3A_197] : memref<8x64xf32, #tpu.memory_space<vmem>> -> memref<1x64xf32, #tpu.memory_space<vmem>>
      %dma_wait3A_199 = arith.constant 0 : i32
      %dma_wait3A_200 = tpu.memref_slice %arg3[%reduce_max3A_14, %dma_wait3A_199] : memref<1000000x64xf32, #tpu.memory_space<hbm>> -> memref<1x64xf32, #tpu.memory_space<hbm>>
      tpu.wait_dma2 semaphore(%arg7 : memref<!tpu.dma_semaphore, #tpu.memory_space<semaphore_mem>>) src(%dma_wait3A_200 : memref<1x64xf32, #tpu.memory_space<hbm>>) dst(%dma_wait3A_198 : memref<1x64xf32, #tpu.memory_space<vmem>>)
      %dma_wait3A_201 = arith.constant 1 : i32
      %dma_wait3A_202 = arith.constant 0 : i32
      %dma_wait3A_203 = tpu.memref_slice %arg6[%dma_wait3A_201, %dma_wait3A_202] : memref<8x64xf32, #tpu.memory_space<vmem>> -> memref<1x64xf32, #tpu.memory_space<vmem>>
      %dma_wait3A_204 = arith.constant 0 : i32
      %dma_wait3A_205 = tpu.memref_slice %arg3[%reduce_max3A_37, %dma_wait3A_204] : memref<1000000x64xf32, #tpu.memory_space<hbm>> -> memref<1x64xf32, #tpu.memory_space<hbm>>
      %dma_wait3A_206 = arith.constant 1 : i32
      %dma_wait3A_207 = arith.constant 0 : i32
      %dma_wait3A_208 = tpu.memref_slice %arg6[%dma_wait3A_206, %dma_wait3A_207] : memref<8x64xf32, #tpu.memory_space<vmem>> -> memref<1x64xf32, #tpu.memory_space<vmem>>
      %dma_wait3A_209 = arith.constant 0 : i32
      %dma_wait3A_210 = tpu.memref_slice %arg3[%reduce_max3A_37, %dma_wait3A_209] : memref<1000000x64xf32, #tpu.memory_space<hbm>> -> memref<1x64xf32, #tpu.memory_space<hbm>>
      tpu.wait_dma2 semaphore(%arg7 : memref<!tpu.dma_semaphore, #tpu.memory_space<semaphore_mem>>) src(%dma_wait3A_210 : memref<1x64xf32, #tpu.memory_space<hbm>>) dst(%dma_wait3A_208 : memref<1x64xf32, #tpu.memory_space<vmem>>)
      %dma_wait3A_211 = arith.constant 2 : i32
      %dma_wait3A_212 = arith.constant 0 : i32
      %dma_wait3A_213 = tpu.memref_slice %arg6[%dma_wait3A_211, %dma_wait3A_212] : memref<8x64xf32, #tpu.memory_space<vmem>> -> memref<1x64xf32, #tpu.memory_space<vmem>>
      %dma_wait3A_214 = arith.constant 0 : i32
      %dma_wait3A_215 = tpu.memref_slice %arg3[%reduce_max3A_61, %dma_wait3A_214] : memref<1000000x64xf32, #tpu.memory_space<hbm>> -> memref<1x64xf32, #tpu.memory_space<hbm>>
      %dma_wait3A_216 = arith.constant 2 : i32
      %dma_wait3A_217 = arith.constant 0 : i32
      %dma_wait3A_218 = tpu.memref_slice %arg6[%dma_wait3A_216, %dma_wait3A_217] : memref<8x64xf32, #tpu.memory_space<vmem>> -> memref<1x64xf32, #tpu.memory_space<vmem>>
      %dma_wait3A_219 = arith.constant 0 : i32
      %dma_wait3A_220 = tpu.memref_slice %arg3[%reduce_max3A_61, %dma_wait3A_219] : memref<1000000x64xf32, #tpu.memory_space<hbm>> -> memref<1x64xf32, #tpu.memory_space<hbm>>
      tpu.wait_dma2 semaphore(%arg7 : memref<!tpu.dma_semaphore, #tpu.memory_space<semaphore_mem>>) src(%dma_wait3A_220 : memref<1x64xf32, #tpu.memory_space<hbm>>) dst(%dma_wait3A_218 : memref<1x64xf32, #tpu.memory_space<vmem>>)
      %dma_wait3A_221 = arith.constant 3 : i32
      %dma_wait3A_222 = arith.constant 0 : i32
      %dma_wait3A_223 = tpu.memref_slice %arg6[%dma_wait3A_221, %dma_wait3A_222] : memref<8x64xf32, #tpu.memory_space<vmem>> -> memref<1x64xf32, #tpu.memory_space<vmem>>
      %dma_wait3A_224 = arith.constant 0 : i32
      %dma_wait3A_225 = tpu.memref_slice %arg3[%reduce_max3A_85, %dma_wait3A_224] : memref<1000000x64xf32, #tpu.memory_space<hbm>> -> memref<1x64xf32, #tpu.memory_space<hbm>>
      %dma_wait3A_226 = arith.constant 3 : i32
      %dma_wait3A_227 = arith.constant 0 : i32
      %dma_wait3A_228 = tpu.memref_slice %arg6[%dma_wait3A_226, %dma_wait3A_227] : memref<8x64xf32, #tpu.memory_space<vmem>> -> memref<1x64xf32, #tpu.memory_space<vmem>>
      %dma_wait3A_229 = arith.constant 0 : i32
      %dma_wait3A_230 = tpu.memref_slice %arg3[%reduce_max3A_85, %dma_wait3A_229] : memref<1000000x64xf32, #tpu.memory_space<hbm>> -> memref<1x64xf32, #tpu.memory_space<hbm>>
      tpu.wait_dma2 semaphore(%arg7 : memref<!tpu.dma_semaphore, #tpu.memory_space<semaphore_mem>>) src(%dma_wait3A_230 : memref<1x64xf32, #tpu.memory_space<hbm>>) dst(%dma_wait3A_228 : memref<1x64xf32, #tpu.memory_space<vmem>>)
      %dma_wait3A_231 = arith.constant 4 : i32
      %dma_wait3A_232 = arith.constant 0 : i32
      %dma_wait3A_233 = tpu.memref_slice %arg6[%dma_wait3A_231, %dma_wait3A_232] : memref<8x64xf32, #tpu.memory_space<vmem>> -> memref<1x64xf32, #tpu.memory_space<vmem>>
      %dma_wait3A_234 = arith.constant 0 : i32
      %dma_wait3A_235 = tpu.memref_slice %arg3[%reduce_max3A_109, %dma_wait3A_234] : memref<1000000x64xf32, #tpu.memory_space<hbm>> -> memref<1x64xf32, #tpu.memory_space<hbm>>
      %dma_wait3A_236 = arith.constant 4 : i32
      %dma_wait3A_237 = arith.constant 0 : i32
      %dma_wait3A_238 = tpu.memref_slice %arg6[%dma_wait3A_236, %dma_wait3A_237] : memref<8x64xf32, #tpu.memory_space<vmem>> -> memref<1x64xf32, #tpu.memory_space<vmem>>
      %dma_wait3A_239 = arith.constant 0 : i32
      %dma_wait3A_240 = tpu.memref_slice %arg3[%reduce_max3A_109, %dma_wait3A_239] : memref<1000000x64xf32, #tpu.memory_space<hbm>> -> memref<1x64xf32, #tpu.memory_space<hbm>>
      tpu.wait_dma2 semaphore(%arg7 : memref<!tpu.dma_semaphore, #tpu.memory_space<semaphore_mem>>) src(%dma_wait3A_240 : memref<1x64xf32, #tpu.memory_space<hbm>>) dst(%dma_wait3A_238 : memref<1x64xf32, #tpu.memory_space<vmem>>)
      %dma_wait3A_241 = arith.constant 5 : i32
      %dma_wait3A_242 = arith.constant 0 : i32
      %dma_wait3A_243 = tpu.memref_slice %arg6[%dma_wait3A_241, %dma_wait3A_242] : memref<8x64xf32, #tpu.memory_space<vmem>> -> memref<1x64xf32, #tpu.memory_space<vmem>>
      %dma_wait3A_244 = arith.constant 0 : i32
      %dma_wait3A_245 = tpu.memref_slice %arg3[%reduce_max3A_133, %dma_wait3A_244] : memref<1000000x64xf32, #tpu.memory_space<hbm>> -> memref<1x64xf32, #tpu.memory_space<hbm>>
      %dma_wait3A_246 = arith.constant 5 : i32
      %dma_wait3A_247 = arith.constant 0 : i32
      %dma_wait3A_248 = tpu.memref_slice %arg6[%dma_wait3A_246, %dma_wait3A_247] : memref<8x64xf32, #tpu.memory_space<vmem>> -> memref<1x64xf32, #tpu.memory_space<vmem>>
      %dma_wait3A_249 = arith.constant 0 : i32
      %dma_wait3A_250 = tpu.memref_slice %arg3[%reduce_max3A_133, %dma_wait3A_249] : memref<1000000x64xf32, #tpu.memory_space<hbm>> -> memref<1x64xf32, #tpu.memory_space<hbm>>
      tpu.wait_dma2 semaphore(%arg7 : memref<!tpu.dma_semaphore, #tpu.memory_space<semaphore_mem>>) src(%dma_wait3A_250 : memref<1x64xf32, #tpu.memory_space<hbm>>) dst(%dma_wait3A_248 : memref<1x64xf32, #tpu.memory_space<vmem>>)
      %dma_wait3A_251 = arith.constant 6 : i32
      %dma_wait3A_252 = arith.constant 0 : i32
      %dma_wait3A_253 = tpu.memref_slice %arg6[%dma_wait3A_251, %dma_wait3A_252] : memref<8x64xf32, #tpu.memory_space<vmem>> -> memref<1x64xf32, #tpu.memory_space<vmem>>
      %dma_wait3A_254 = arith.constant 0 : i32
      %dma_wait3A_255 = tpu.memref_slice %arg3[%reduce_max3A_157, %dma_wait3A_254] : memref<1000000x64xf32, #tpu.memory_space<hbm>> -> memref<1x64xf32, #tpu.memory_space<hbm>>
      %dma_wait3A_256 = arith.constant 6 : i32
      %dma_wait3A_257 = arith.constant 0 : i32
      %dma_wait3A_258 = tpu.memref_slice %arg6[%dma_wait3A_256, %dma_wait3A_257] : memref<8x64xf32, #tpu.memory_space<vmem>> -> memref<1x64xf32, #tpu.memory_space<vmem>>
      %dma_wait3A_259 = arith.constant 0 : i32
      %dma_wait3A_260 = tpu.memref_slice %arg3[%reduce_max3A_157, %dma_wait3A_259] : memref<1000000x64xf32, #tpu.memory_space<hbm>> -> memref<1x64xf32, #tpu.memory_space<hbm>>
      tpu.wait_dma2 semaphore(%arg7 : memref<!tpu.dma_semaphore, #tpu.memory_space<semaphore_mem>>) src(%dma_wait3A_260 : memref<1x64xf32, #tpu.memory_space<hbm>>) dst(%dma_wait3A_258 : memref<1x64xf32, #tpu.memory_space<vmem>>)
      %dma_wait3A_261 = arith.constant 7 : i32
      %dma_wait3A_262 = arith.constant 0 : i32
      %dma_wait3A_263 = tpu.memref_slice %arg6[%dma_wait3A_261, %dma_wait3A_262] : memref<8x64xf32, #tpu.memory_space<vmem>> -> memref<1x64xf32, #tpu.memory_space<vmem>>
      %dma_wait3A_264 = arith.constant 0 : i32
      %dma_wait3A_265 = tpu.memref_slice %arg3[%reduce_max3A_181, %dma_wait3A_264] : memref<1000000x64xf32, #tpu.memory_space<hbm>> -> memref<1x64xf32, #tpu.memory_space<hbm>>
      %dma_wait3A_266 = arith.constant 7 : i32
      %dma_wait3A_267 = arith.constant 0 : i32
      %dma_wait3A_268 = tpu.memref_slice %arg6[%dma_wait3A_266, %dma_wait3A_267] : memref<8x64xf32, #tpu.memory_space<vmem>> -> memref<1x64xf32, #tpu.memory_space<vmem>>
      %dma_wait3A_269 = arith.constant 0 : i32
      %dma_wait3A_270 = tpu.memref_slice %arg3[%reduce_max3A_181, %dma_wait3A_269] : memref<1000000x64xf32, #tpu.memory_space<hbm>> -> memref<1x64xf32, #tpu.memory_space<hbm>>
      tpu.wait_dma2 semaphore(%arg7 : memref<!tpu.dma_semaphore, #tpu.memory_space<semaphore_mem>>) src(%dma_wait3A_270 : memref<1x64xf32, #tpu.memory_space<hbm>>) dst(%dma_wait3A_268 : memref<1x64xf32, #tpu.memory_space<vmem>>)
      "tpu.region"() ({
        %run_scoped3A = tpu.sem_alloc : memref<!tpu.dma_semaphore, #tpu.memory_space<semaphore_mem>>
        %dma_start3A_271 = arith.constant 0 : i32
        %dma_start3A_272 = tpu.memref_slice %arg4[%mul3A_4, %dma_start3A_271] : memref<128x64xf32, #tpu.memory_space<hbm>> -> memref<8x64xf32, #tpu.memory_space<hbm>>
        %dma_start3A_273 = arith.constant 0 : i32
        %dma_start3A_274 = tpu.memref_slice %arg4[%mul3A_4, %dma_start3A_273] : memref<128x64xf32, #tpu.memory_space<hbm>> -> memref<8x64xf32, #tpu.memory_space<hbm>>
        tpu.enqueue_dma source(%arg6 : memref<8x64xf32, #tpu.memory_space<vmem>>) target(%dma_start3A_274 : memref<8x64xf32, #tpu.memory_space<hbm>>) target_semaphore(%run_scoped3A : memref<!tpu.dma_semaphore, #tpu.memory_space<semaphore_mem>>)
        %dma_wait3A_275 = arith.constant 0 : i32
        %dma_wait3A_276 = tpu.memref_slice %arg4[%mul3A_4, %dma_wait3A_275] : memref<128x64xf32, #tpu.memory_space<hbm>> -> memref<8x64xf32, #tpu.memory_space<hbm>>
        %dma_wait3A_277 = arith.constant 0 : i32
        %dma_wait3A_278 = tpu.memref_slice %arg4[%mul3A_4, %dma_wait3A_277] : memref<128x64xf32, #tpu.memory_space<hbm>> -> memref<8x64xf32, #tpu.memory_space<hbm>>
        tpu.wait_dma2 semaphore(%run_scoped3A : memref<!tpu.dma_semaphore, #tpu.memory_space<semaphore_mem>>) src(%arg6 : memref<8x64xf32, #tpu.memory_space<vmem>>) dst(%dma_wait3A_278 : memref<8x64xf32, #tpu.memory_space<hbm>>)
        tpu.yield
      }) : () -> ()
    } else {
    }
    return
  }
}

module attributes {stable_mosaic.version = 14 : i64} {
  func.func @_argmax_body(%arg0: i32, %arg1: memref<128x64xf32, #tpu.memory_space<vmem>>, %arg2: memref<40000x64xf32, #tpu.memory_space<vmem>>, %arg3: memref<1x128xi32, #tpu.memory_space<vmem>>, %arg4: memref<1x128xf32, #tpu.memory_space<vmem>>, %arg5: memref<1x128xi32, #tpu.memory_space<vmem>>) attributes {dimension_semantics = [#tpu.dimension_semantics<arbitrary>], iteration_bounds = array<i64: 25>, scalar_prefetch = 0 : i64, scratch_operands = 2 : i64, tpu.core_type = #tpu.core_type<tc>, window_params = [{pipeline_mode = #tpu.pipeline_mode<synchronous>, transform_indices = @transform_0, window_bounds = array<i64: 128, 64>}, {transform_indices = @transform_1, window_bounds = array<i64: 40000, 64>}, {pipeline_mode = #tpu.pipeline_mode<synchronous>, transform_indices = @transform_2, window_bounds = array<i64: 1, 128>}]} {
    %eq3A = arith.constant 0 : i32
    %eq3A_0 = arith.cmpi eq, %arg0, %eq3A : i32
    %convert_element_type3A = arith.extui %eq3A_0 : i1 to i32
    %cond3A = arith.constant 0 : i32
    %cond3A_1 = arith.cmpi ne, %convert_element_type3A, %cond3A : i32
    scf.if %cond3A_1 {
      %broadcast_in_dim3A_32 = arith.constant 0xFF800000 : f32
      %broadcast_in_dim3A_33 = vector.broadcast %broadcast_in_dim3A_32 : f32 to vector<1x128xf32>
      %swap3A_34 = arith.constant 0 : index
      %swap3A_35 = arith.constant 0 : index
      %swap3A_36 = vector.load %arg4[%swap3A_34, %swap3A_35] : memref<1x128xf32, #tpu.memory_space<vmem>>, vector<1x128xf32>
      tpu.vector_store %arg4[%swap3A_34, %swap3A_35], %broadcast_in_dim3A_33 {strides = array<i32>} : memref<1x128xf32, #tpu.memory_space<vmem>>, vector<1x128xf32>,
      %broadcast_in_dim3A_37 = arith.constant 0 : i32
      %broadcast_in_dim3A_38 = vector.broadcast %broadcast_in_dim3A_37 : i32 to vector<1x128xi32>
      %swap3A_39 = arith.constant 0 : index
      %swap3A_40 = arith.constant 0 : index
      %swap3A_41 = vector.load %arg5[%swap3A_39, %swap3A_40] : memref<1x128xi32, #tpu.memory_space<vmem>>, vector<1x128xi32>
      tpu.vector_store %arg5[%swap3A_39, %swap3A_40], %broadcast_in_dim3A_38 {strides = array<i32>} : memref<1x128xi32, #tpu.memory_space<vmem>>, vector<1x128xi32>,
    } else {
    }
    %get3A = arith.constant 0 : index
    %get3A_2 = arith.constant 0 : index
    %get3A_3 = vector.load %arg2[%get3A, %get3A_2] : memref<40000x64xf32, #tpu.memory_space<vmem>>, vector<40000x64xf32>
    %get3A_4 = arith.constant 0 : index
    %get3A_5 = arith.constant 0 : index
    %get3A_6 = vector.load %arg1[%get3A_4, %get3A_5] : memref<128x64xf32, #tpu.memory_space<vmem>>, vector<128x64xf32>
    %dot_general3A = arith.constant dense<0.000000e+00> : vector<40000x128xf32>
    %dot_general3A_7 = tpu.matmul %get3A_3, %get3A_6, %dot_general3A {dimension_numbers = #tpu.dot_dimension_numbers<[1], [1], [0], [0], [0, 0, 1, 0], [], []>, transpose_lhs_hint = false} : vector<40000x64xf32>, vector<128x64xf32>, vector<40000x128xf32> -> vector<40000x128xf32>
    %reduce_max3A = arith.constant dense<0xFF800000> : vector<128xf32>
    %reduce_max3A_8 = vector.multi_reduction <maximumf>, %dot_general3A_7, %reduce_max3A [0] : vector<40000x128xf32> to vector<128xf32>
    %broadcast_in_dim3A = vector.shape_cast %reduce_max3A_8 : vector<128xf32> to vector<1x128xf32>
    %argmax3A = tpu.reduce_index %dot_general3A_7 {axis = 0 : i32, kind = #tpu.reduction_kind<arg_max>} : vector<40000x128xf32> -> vector<128xi32>
    %broadcast_in_dim3A_9 = vector.shape_cast %argmax3A : vector<128xi32> to vector<1x128xi32>
    %mul3A = arith.constant 40000 : i32
    %mul3A_10 = arith.muli %arg0, %mul3A : i32
    %add3A = vector.broadcast %mul3A_10 : i32 to vector<1x128xi32>
    %add3A_11 = arith.addi %broadcast_in_dim3A_9, %add3A : vector<1x128xi32>
    %get3A_12 = arith.constant 0 : index
    %get3A_13 = arith.constant 0 : index
    %get3A_14 = vector.load %arg4[%get3A_12, %get3A_13] : memref<1x128xf32, #tpu.memory_space<vmem>>, vector<1x128xf32>
    %gt3A = arith.cmpf ogt, %broadcast_in_dim3A, %get3A_14 : vector<1x128xf32>
    %get3A_15 = arith.constant 0 : index
    %get3A_16 = arith.constant 0 : index
    %get3A_17 = vector.load %arg4[%get3A_15, %get3A_16] : memref<1x128xf32, #tpu.memory_space<vmem>>, vector<1x128xf32>
    %select_n3A = arith.select %gt3A, %broadcast_in_dim3A, %get3A_17 : vector<1x128xi1>, vector<1x128xf32>
    %swap3A = arith.constant 0 : index
    %swap3A_18 = arith.constant 0 : index
    %swap3A_19 = vector.load %arg4[%swap3A, %swap3A_18] : memref<1x128xf32, #tpu.memory_space<vmem>>, vector<1x128xf32>
    tpu.vector_store %arg4[%swap3A, %swap3A_18], %select_n3A {strides = array<i32>} : memref<1x128xf32, #tpu.memory_space<vmem>>, vector<1x128xf32>,
    %get3A_20 = arith.constant 0 : index
    %get3A_21 = arith.constant 0 : index
    %get3A_22 = vector.load %arg5[%get3A_20, %get3A_21] : memref<1x128xi32, #tpu.memory_space<vmem>>, vector<1x128xi32>
    %select_n3A_23 = arith.select %gt3A, %add3A_11, %get3A_22 : vector<1x128xi1>, vector<1x128xi32>
    %swap3A_24 = arith.constant 0 : index
    %swap3A_25 = arith.constant 0 : index
    %swap3A_26 = vector.load %arg5[%swap3A_24, %swap3A_25] : memref<1x128xi32, #tpu.memory_space<vmem>>, vector<1x128xi32>
    tpu.vector_store %arg5[%swap3A_24, %swap3A_25], %select_n3A_23 {strides = array<i32>} : memref<1x128xi32, #tpu.memory_space<vmem>>, vector<1x128xi32>,
    %eq3A_27 = arith.constant 24 : i32
    %eq3A_28 = arith.cmpi eq, %arg0, %eq3A_27 : i32
    %convert_element_type3A_29 = arith.extui %eq3A_28 : i1 to i32
    %cond3A_30 = arith.constant 0 : i32
    %cond3A_31 = arith.cmpi ne, %convert_element_type3A_29, %cond3A_30 : i32
    scf.if %cond3A_31 {
      %get3A_32 = arith.constant 0 : index
      %get3A_33 = arith.constant 0 : index
      %get3A_34 = vector.load %arg5[%get3A_32, %get3A_33] : memref<1x128xi32, #tpu.memory_space<vmem>>, vector<1x128xi32>
      %swap3A_35 = arith.constant 0 : index
      %swap3A_36 = arith.constant 0 : index
      %swap3A_37 = vector.load %arg3[%swap3A_35, %swap3A_36] : memref<1x128xi32, #tpu.memory_space<vmem>>, vector<1x128xi32>
      tpu.vector_store %arg3[%swap3A_35, %swap3A_36], %get3A_34 {strides = array<i32>} : memref<1x128xi32, #tpu.memory_space<vmem>>, vector<1x128xi32>,
    } else {
    }
    return
  }
  func.func @transform_0(%arg0: i32) -> (i32, i32) {
    %c0_i32 = arith.constant 0 : i32
    %c0_i32_0 = arith.constant 0 : i32
    %c0_i32_1 = arith.constant 0 : i32
    return %c0_i32, %c0_i32_0 : i32, i32
  }
  func.func @transform_1(%arg0: i32) -> (i32, i32) {
    %c0_i32 = arith.constant 0 : i32
    %c0_i32_0 = arith.constant 0 : i32
    return %arg0, %c0_i32 : i32, i32
  }
  func.func @transform_2(%arg0: i32) -> (i32, i32) {
    %c0_i32 = arith.constant 0 : i32
    %c0_i32_0 = arith.constant 0 : i32
    %c0_i32_1 = arith.constant 0 : i32
    return %c0_i32, %c0_i32_0 : i32, i32
  }
}

module attributes {stable_mosaic.version = 14 : i64} {
  func.func @_loss_body(%arg0: memref<128x64xf32, #tpu.memory_space<vmem>>, %arg1: memref<128x64xf32, #tpu.memory_space<vmem>>, %arg2: memref<1x1xf32, #tpu.memory_space<vmem>>) attributes {dimension_semantics = [], scalar_prefetch = 0 : i64, scratch_operands = 0 : i64, tpu.core_type = #tpu.core_type<tc>} {
    %get3A = arith.constant 0 : index
    %get3A_0 = arith.constant 0 : index
    %get3A_1 = vector.load %arg0[%get3A, %get3A_0] : memref<128x64xf32, #tpu.memory_space<vmem>>, vector<64x64xf32>
    %get3A_2 = arith.constant 64 : index
    %get3A_3 = arith.constant 0 : index
    %get3A_4 = vector.load %arg0[%get3A_2, %get3A_3] : memref<128x64xf32, #tpu.memory_space<vmem>>, vector<64x64xf32>
    %get3A_5 = arith.constant 0 : index
    %get3A_6 = arith.constant 0 : index
    %get3A_7 = vector.load %arg1[%get3A_5, %get3A_6] : memref<128x64xf32, #tpu.memory_space<vmem>>, vector<64x64xf32>
    %get3A_8 = arith.constant 64 : index
    %get3A_9 = arith.constant 0 : index
    %get3A_10 = vector.load %arg1[%get3A_8, %get3A_9] : memref<128x64xf32, #tpu.memory_space<vmem>>, vector<64x64xf32>
    %dot_general3A = arith.constant dense<0.000000e+00> : vector<64x64xf32>
    %dot_general3A_11 = tpu.matmul %get3A_1, %get3A_10, %dot_general3A {dimension_numbers = #tpu.dot_dimension_numbers<[1], [1], [0], [0], [0, 0, 1, 0], [], []>, transpose_lhs_hint = false} : vector<64x64xf32>, vector<64x64xf32>, vector<64x64xf32> -> vector<64x64xf32>
    %mul3A = arith.constant 1.000000e+01 : f32
    %mul3A_12 = vector.broadcast %mul3A : f32 to vector<64x64xf32>
    %mul3A_13 = arith.mulf %dot_general3A_11, %mul3A_12 : vector<64x64xf32>
    %dot_general3A_14 = arith.constant dense<0.000000e+00> : vector<64x64xf32>
    %dot_general3A_15 = tpu.matmul %get3A_4, %get3A_7, %dot_general3A_14 {dimension_numbers = #tpu.dot_dimension_numbers<[1], [1], [0], [0], [0, 0, 1, 0], [], []>, transpose_lhs_hint = false} : vector<64x64xf32>, vector<64x64xf32>, vector<64x64xf32> -> vector<64x64xf32>
    %mul3A_16 = arith.constant 1.000000e+01 : f32
    %mul3A_17 = vector.broadcast %mul3A_16 : f32 to vector<64x64xf32>
    %mul3A_18 = arith.mulf %dot_general3A_15, %mul3A_17 : vector<64x64xf32>
    %iota3A = tpu.iota {dimensions = array<i32: 0>} : vector<64x64xi32>
    %iota3A_19 = tpu.iota {dimensions = array<i32: 1>} : vector<64x64xi32>
    %eq3A = arith.cmpi eq, %iota3A, %iota3A_19 : vector<64x64xi32>
    %reduce_max3A = arith.constant dense<0xFF800000> : vector<64xf32>
    %reduce_max3A_20 = vector.multi_reduction <maximumf>, %mul3A_13, %reduce_max3A [1] : vector<64x64xf32> to vector<64xf32>
    %broadcast_in_dim3A = vector.shape_cast %reduce_max3A_20 : vector<64xf32> to vector<64x1xf32>
    %sub3A = vector.broadcast %broadcast_in_dim3A : vector<64x1xf32> to vector<64x64xf32>
    %sub3A_21 = arith.subf %mul3A_13, %sub3A : vector<64x64xf32>
    %exp3A = math.exp %sub3A_21 : vector<64x64xf32>
    %reduce_sum3A = arith.constant dense<0.000000e+00> : vector<64xf32>
    %reduce_sum3A_22 = vector.multi_reduction <add>, %exp3A, %reduce_sum3A [1] : vector<64x64xf32> to vector<64xf32>
    %broadcast_in_dim3A_23 = vector.shape_cast %reduce_sum3A_22 : vector<64xf32> to vector<64x1xf32>
    %log3A = math.log %broadcast_in_dim3A_23 : vector<64x1xf32>
    %add3A = arith.addf %broadcast_in_dim3A, %log3A : vector<64x1xf32>
    %jit3A = arith.constant 0.000000e+00 : f32
    %broadcast_in_dim3A_24 = vector.broadcast %jit3A : f32 to vector<64x64xf32>
    %select_n3A = arith.select %eq3A, %mul3A_13, %broadcast_in_dim3A_24 : vector<64x64xi1>, vector<64x64xf32>
    %reduce_sum3A_25 = arith.constant dense<0.000000e+00> : vector<64xf32>
    %reduce_sum3A_26 = vector.multi_reduction <add>, %select_n3A, %reduce_sum3A_25 [1] : vector<64x64xf32> to vector<64xf32>
    %broadcast_in_dim3A_27 = vector.shape_cast %reduce_sum3A_26 : vector<64xf32> to vector<64x1xf32>
    %sub3A_28 = arith.subf %broadcast_in_dim3A_27, %add3A : vector<64x1xf32>
    %reduce_sum3A_29 = vector.shape_cast %sub3A_28 : vector<64x1xf32> to vector<1x64x1xf32>
    %reduce_sum3A_30 = arith.constant dense<0.000000e+00> : vector<1xf32>
    %reduce_sum3A_31 = vector.multi_reduction <add>, %reduce_sum3A_29, %reduce_sum3A_30 [1, 2] : vector<1x64x1xf32> to vector<1xf32>
    %reduce_sum3A_32 = vector.shape_cast %reduce_sum3A_31 : vector<1xf32> to vector<1x1x1xf32>
    %reduce_sum3A_33 = vector.extract %reduce_sum3A_32[0, 0, 0] : f32 from vector<1x1x1xf32>
    %div3A = arith.constant 6.400000e+01 : f32
    %div3A_34 = arith.divf %reduce_sum3A_33, %div3A : f32
    %neg3A = arith.constant 0.000000e+00 : f32
    %neg3A_35 = arith.subf %neg3A, %div3A_34 : f32
    %mul3A_36 = arith.constant 5.000000e-01 : f32
    %mul3A_37 = arith.mulf %mul3A_36, %neg3A_35 : f32
    %reduce_max3A_38 = arith.constant dense<0xFF800000> : vector<64xf32>
    %reduce_max3A_39 = vector.multi_reduction <maximumf>, %mul3A_18, %reduce_max3A_38 [1] : vector<64x64xf32> to vector<64xf32>
    %broadcast_in_dim3A_40 = vector.shape_cast %reduce_max3A_39 : vector<64xf32> to vector<64x1xf32>
    %sub3A_41 = vector.broadcast %broadcast_in_dim3A_40 : vector<64x1xf32> to vector<64x64xf32>
    %sub3A_42 = arith.subf %mul3A_18, %sub3A_41 : vector<64x64xf32>
    %exp3A_43 = math.exp %sub3A_42 : vector<64x64xf32>
    %reduce_sum3A_44 = arith.constant dense<0.000000e+00> : vector<64xf32>
    %reduce_sum3A_45 = vector.multi_reduction <add>, %exp3A_43, %reduce_sum3A_44 [1] : vector<64x64xf32> to vector<64xf32>
    %broadcast_in_dim3A_46 = vector.shape_cast %reduce_sum3A_45 : vector<64xf32> to vector<64x1xf32>
    %log3A_47 = math.log %broadcast_in_dim3A_46 : vector<64x1xf32>
    %add3A_48 = arith.addf %broadcast_in_dim3A_40, %log3A_47 : vector<64x1xf32>
    %jit3A_49 = arith.constant 0.000000e+00 : f32
    %broadcast_in_dim3A_50 = vector.broadcast %jit3A_49 : f32 to vector<64x64xf32>
    %select_n3A_51 = arith.select %eq3A, %mul3A_18, %broadcast_in_dim3A_50 : vector<64x64xi1>, vector<64x64xf32>
    %reduce_sum3A_52 = arith.constant dense<0.000000e+00> : vector<64xf32>
    %reduce_sum3A_53 = vector.multi_reduction <add>, %select_n3A_51, %reduce_sum3A_52 [1] : vector<64x64xf32> to vector<64xf32>
    %broadcast_in_dim3A_54 = vector.shape_cast %reduce_sum3A_53 : vector<64xf32> to vector<64x1xf32>
    %sub3A_55 = arith.subf %broadcast_in_dim3A_54, %add3A_48 : vector<64x1xf32>
    %reduce_sum3A_56 = vector.shape_cast %sub3A_55 : vector<64x1xf32> to vector<1x64x1xf32>
    %reduce_sum3A_57 = arith.constant dense<0.000000e+00> : vector<1xf32>
    %reduce_sum3A_58 = vector.multi_reduction <add>, %reduce_sum3A_56, %reduce_sum3A_57 [1, 2] : vector<1x64x1xf32> to vector<1xf32>
    %reduce_sum3A_59 = vector.shape_cast %reduce_sum3A_58 : vector<1xf32> to vector<1x1x1xf32>
    %reduce_sum3A_60 = vector.extract %reduce_sum3A_59[0, 0, 0] : f32 from vector<1x1x1xf32>
    %div3A_61 = arith.constant 6.400000e+01 : f32
    %div3A_62 = arith.divf %reduce_sum3A_60, %div3A_61 : f32
    %neg3A_63 = arith.constant 0.000000e+00 : f32
    %neg3A_64 = arith.subf %neg3A_63, %div3A_62 : f32
    %mul3A_65 = arith.constant 5.000000e-01 : f32
    %mul3A_66 = arith.mulf %mul3A_65, %neg3A_64 : f32
    %add3A_67 = arith.addf %mul3A_37, %mul3A_66 : f32
    %reshape3A = vector.broadcast %add3A_67 : f32 to vector<1x1xf32>
    %swap3A = arith.constant 0 : index
    %swap3A_68 = arith.constant 0 : index
    %swap3A_69 = vector.load %arg2[%swap3A, %swap3A_68] : memref<1x1xf32, #tpu.memory_space<vmem>>, vector<1x1xf32>
    tpu.vector_store %arg2[%swap3A, %swap3A_68], %reshape3A {strides = array<i32>} : memref<1x1xf32, #tpu.memory_space<vmem>>, vector<1x1xf32>,
    return
  }
}

</mosaic_0001>

<sc_bundles>
// kernel: kernel.5.cloned.1.call-start
scs
__scs_entry_jumppad:
0x0: {  	(pc) =	sbr.rel $0x88, $3  }
0x1: {  	(tag) =	ssettag $0x0;
	lr =	simm.s32 $0x1  }
0x2: {  	[smem:$0x3F9E] =	sst lr;
	_ =	strace $0xD0000000  }
0x3: {  	_ = 	snop  }
0x4: {  	_ = 	snop  }
0x5: {  	_ = 	snop  }
0x6: {  	_ = 	snop  }
0x7: {  	_ = 	snop  }
__scs_overlays_trampoline_lowered:
0x8: {  	[smem:$0x3FAD] =	sst s0  }
0x9: {  	[smem:$0x3FAE] =	sst s1  }
0xa: {  	[smem:$0x3FAF] =	sst s2  }
0xb: {  	[smem:$0x3FB0] =	sst s3  }
0xc: {  	[smem:$0x3FB1] =	sst s4  }
0xd: {  	[smem:$0x3FB2] =	sst s5  }
0xe: {  	[smem:$0x3FB3] =	sst s6  }
0xf: {  	[smem:$0x3FB4] =	sst s7  }
0x10: {  	[smem:$0x3FB5] =	sst s8  }
0x11: {  	[smem:$0x3FB6] =	sst s9;
	s0 =	simm.s32 @!p0 $0x0  }
0x12: {  	s1 =	sld [smem:$0x3F9C];
	s0 =	simm.s32 @p0 $0x1  }
0x13: {  	[smem:$0x3FB7] =	sst s0;
	s0 =	simm.s32 @!p1 $0x0  }
0x14: {  	s2 =	sld [smem:$0x3F9B];
	s0 =	simm.s32 @p1 $0x1  }
0x15: {  	[smem:$0x3FB8] =	sst s0;
	s0 =	simm.s32 @!p2 $0x0  }
0x16: {  	s3 =	sld [smem:$0x3FDB];
	s0 =	simm.s32 @p2 $0x1  }
0x17: {  	s4 =	simm.s32 $0x1BF5;
	[smem:$0x3FBA] =	sst s0  }
0x18: {  	s0 =	sld [smem:$0x3F9D];
	_ =	swait.ge [sflag:s4], $0x0  }
0x19: {  	s7 =	sld [smem:$0x3F9E]  }
0x1a: {  	s8 =	sadd.s32 $0xFFFFE003, lr  }
0x1b: {  	s9 =	sadd.s32 $0xFFFFFEF7, lr;
	s5 =	simm.s32 $0xFFFFFFFF;
	p2 =	slt.u32 s8, $0xFFFFF086  }
0x1c: {  	p1 =	slt.u32 s9, $0xF7A;
	s5 =	simm.s32 @!p2 $0x0  }
0x1d: {  	s5 =	simm.s32 @p1 $0x1;
	p0 =	seq.s32 s7, s2  }
0x1e: {  	s7 =	smul.u32 @!p0 $0xF7A, s2;
	p2 =	seq.s32 @!p0 s5, $0x0  }
0x1f: {  	s9 =	smul.u32 $0xF7A, s1;
	s8 =	simm.s32 @!p0 $0x1BF5;
	p2 =	por !p2, p0  }
0x20: {  	[sflag:s8] =	ssyncset.s32 @!p0 $0xFFFFF086;
	s6 =	sadd.s32 @!p0 s3, s7;
	s7 =	simm.s32 @!p0 $0x108  }
0x21: {  	s3 =	sadd.s32 s3, s9;
	s6 =	sadd.s32 @!p0 $0x88, s6;
	s7 =	simm.s32 @p2 $0x1082  }
0x22: {  	[simem:s7], [sflag:s8] =	dma.local @!p0 [hbm:s6], $0xF7A  }
0x23: {  	s9 =	sor.u32 $0xD0000000, s2;
	s6 =	simm.s32 $0x108;
	_ =	swait.ge @!p0 [sflag:s8], $0x0  }
0x24: {  	s3 =	sadd.s32 $0x88, s3;
	s6 =	simm.s32 @!p1 $0x1082;
	[sflag:s4] =	ssyncset.s32 $0xFFFFF086  }
0x25: {  	[simem:s6], [sflag:s4] =	dma.local [hbm:s3], $0xF7A  }
0x26: {  	[smem:$0x3F9E] =	sst s1;
	(tag) =	ssettag s2;
	_ =	strace s9  }
0x27: {  	s1 =	sld [smem:$0x3FAE]  }
0x28: {  	s2 =	sld [smem:$0x3FAF]  }
0x29: {  	s4 =	sld [smem:$0x3FB1]  }
0x2a: {  	p0 =	seq.s32 s5, $0x0;
	s5 =	sld [smem:$0x3FB2]  }
0x2b: {  	s6 =	sld [smem:$0x3FB3]  }
0x2c: {  	s7 =	sld [smem:$0x3FB4]  }
0x2d: {  	s3 =	simm.s32 $0x108;
	s8 =	sld [smem:$0x3FB5]  }
0x2e: {  	s3 =	simm.s32 @!p0 $0x1082;
	s9 =	sld [smem:$0x3FB6]  }
0x2f: {  	lr =	sadd.s32 s0, s3;
	s0 =	sld [smem:$0x3FAD]  }
0x30: {  	s3 =	sld [smem:$0x3FB0]  }
0x31: {  	[smem:$0x3FB9] =	sst s10  }
0x32: {  	s10 =	sld [smem:$0x3FB7];
	_ =	sdelay $0x3  }
0x33: {  	p0 =	seq.s32 s10, $0x1;
	s10 =	sld [smem:$0x3FB9];
	_ =	sdelay $0x3  }
0x34: {  	[smem:$0x3FB9] =	sst s10  }
0x35: {  	s10 =	sld [smem:$0x3FB8];
	_ =	sdelay $0x3  }
0x36: {  	p1 =	seq.s32 s10, $0x1;
	s10 =	sld [smem:$0x3FB9];
	_ =	sdelay $0x3  }
0x37: {  	[smem:$0x3FB9] =	sst s10  }
0x38: {  	s10 =	sld [smem:$0x3FBA]  }
0x39: {  	_ = 	snop;
	(pc) =	sbr.ind lr, $3  }
0x3a: {  	_ = 	snop  }
0x3b: {  	_ = 	snop  }
0x3c: {  	p2 =	seq.s32 s10, $0x1;
	s10 =	sld [smem:$0x3FB9]  }
0x3d: {  	_ =	shalt  }
0x3e: {  	_ =	shalt  }
0x3f: {  	_ =	shalt  }
0x40: {  	_ =	shalt  }
0x41: {  	_ =	shalt  }
0x42: {  	_ =	shalt  }
0x43: {  	_ =	shalt  }
0x44: {  	_ =	shalt  }
0x45: {  	_ =	shalt  }
0x46: {  	_ =	shalt  }
0x47: {  	_ =	shalt  }
0x48: {  	_ =	shalt  }
0x49: {  	_ =	shalt  }
0x4a: {  	_ =	shalt  }
0x4b: {  	_ =	shalt  }
0x4c: {  	_ =	shalt  }
0x4d: {  	_ =	shalt  }
0x4e: {  	_ =	shalt  }
0x4f: {  	_ =	shalt  }
0x50: {  	_ =	shalt  }
0x51: {  	_ =	shalt  }
0x52: {  	_ =	shalt  }
0x53: {  	_ =	shalt  }
0x54: {  	_ =	shalt  }
0x55: {  	_ =	shalt  }
0x56: {  	_ =	shalt  }
0x57: {  	_ =	shalt  }
0x58: {  	_ =	shalt  }
0x59: {  	_ =	shalt  }
0x5a: {  	_ =	shalt  }
0x5b: {  	_ =	shalt  }
0x5c: {  	_ =	shalt  }
0x5d: {  	_ =	shalt  }
0x5e: {  	_ =	shalt  }
0x5f: {  	_ =	shalt  }
0x60: {  	_ =	shalt  }
0x61: {  	_ =	shalt  }
0x62: {  	_ =	shalt  }
0x63: {  	_ =	shalt  }
0x64: {  	_ =	shalt  }
0x65: {  	_ =	shalt  }
0x66: {  	_ =	shalt  }
0x67: {  	_ =	shalt  }
0x68: {  	_ =	shalt  }
0x69: {  	_ =	shalt  }
0x6a: {  	_ =	shalt  }
0x6b: {  	_ =	shalt  }
0x6c: {  	_ =	shalt  }
0x6d: {  	_ =	shalt  }
0x6e: {  	_ =	shalt  }
0x6f: {  	_ =	shalt  }
0x70: {  	_ =	shalt  }
0x71: {  	_ =	shalt  }
0x72: {  	_ =	shalt  }
0x73: {  	_ =	shalt  }
0x74: {  	_ =	shalt  }
0x75: {  	_ =	shalt  }
0x76: {  	_ =	shalt  }
0x77: {  	_ =	shalt  }
0x78: {  	_ =	shalt  }
0x79: {  	_ =	shalt  }
0x7a: {  	_ =	shalt  }
0x7b: {  	_ =	shalt  }
0x7c: {  	_ =	shalt  }
0x7d: {  	_ =	shalt  }
0x7e: {  	_ =	shalt  }
0x7f: {  	_ =	shalt  }
0x80: {  	_ =	shalt  }
0x81: {  	_ =	shalt  }
0x82: {  	_ =	shalt  }
0x83: {  	_ =	shalt  }
0x84: {  	_ =	shalt  }
0x85: {  	_ =	shalt  }
0x86: {  	_ =	shalt  }
0x87: {  	_ =	shalt  }
.Lfunc_end0:
.L_simem_size_0:
called_computation_lowered:
.L_overlay_start_0:
0x88: {  	s2 =	sld [smem:$0x3FD9]  }
0x89: {  	s3 =	sld [smem:$0x3FFE];
	_ =	sdelay $0x1  }
0x8a: {  	s1 =	srdreg.scid  }
0x8b: {  	s0 =	sand.u32 $0x1, s1  }
0x8c: {  	s17 =	sshll.u32 s0, $0xA;
	s2 =	sadd.s32 s3, s2  }
0x8d: {  	s2 =	sadd.s32 s2, s17  }
0x8e: {  	[smem:$0x3FC5] =	sst s2  }
0x8f: {  	_ = 	snop  }
0x90: {  	s2 =	sld [smem:$0x3FD0];
	(tm) =	ssettm $0x1  }
0x91: {  	s18 =	sld [smem:$0x3FFB];
	_ =	sdelay $0x3  }
0x92: {  	_ =	strace s18  }
0x93: {  	s3 =	sld [smem:$0x3FFC];
	_ =	sdelay $0x3  }
0x94: {  	_ =	strace s3  }
0x95: {  	s3 =	sld [smem:$0x3FFD];
	_ =	sdelay $0x3  }
0x96: {  	_ =	strace s3  }
0x97: {  	_ =	strace $0x8FFFFFFF  }
0x98: {  	s19 =	sld [smem:$0x3FDB];
	_ =	sdelay $0x1  }
0x99: {  	s4 =	simm.s32 $_scs_section_size  }
0x9a: {  	s5 =	simm.s32 $_size__tile_overlayer_lowered;
	s6 =	simm.s32 $_tile_overlayer_lowered  }
0x9b: {  	s22 =	simm.s32 $0x1BFF;
	s21 =	sshll.u32 s6, $0x1;
	s3 =	sadd.s32 s4, s19  }
0x9c: {  	s7 =	simm.s32 $0x0;
	s20 =	sshll.u32 s5, $0x1;
	s5 =	sadd.s32 s21, s3  }
0x9d: {  	[timem:s7], [sflag:s22] =	dma.local [hbm:s5], s20  }
0x9e: {  	_ =	swait.ge [sflag:s22], s20  }
0x9f: {  	s4 =	ssub.s32 $0x0, s20;
	[sflag:s22] =	ssyncset.done $0x0  }
0xa0: {  	[sflag:s22] =	ssyncadd.s32 s4;
	_ =	sdelay $0x1  }
0xa1: {  	s23 =	simm.s32 $0x1B8B  }
0xa2: {  	_ =	swait.ge [sflag:s23], $0x1  }
0xa3: {  	[sflag:s23] =	ssyncset.done $0x0  }
0xa4: {  	s25 =	simm.s32 $0x1B8E;
	s24 =	sld [smem:$0x3FFE];
	[sflag:s23] =	ssyncadd.s32 $0xFFFFFFFF  }
0xa5: {  	s26 =	simm.s32 $execute0_lowered;
	[smem:$0x3FD2] =	sst s25  }
0xa6: {  	s5 =	sshll.u32 s26, $0x1;
	_ =	strace $0x80000046;
	[dreg:$0x1] =	wrdreg $0xFFFFFFFF  }
0xa7: {  	s28 =	simm.s32 $_size_execute0_lowered;
	s3 =	sadd.s32 s3, s5;
	[dreg:$0x0] =	wrdreg $0x0  }
0xa8: {  	s5 =	sshll.u32 s28, $0x1;
	[dreg:$0x2] =	wrdreg s3  }
0xa9: {  	[dreg:$0x3] =	wrdreg s5  }
0xaa: {  	[dreg:$0x4] =	wrdreg $0xC0  }
0xab: {  	_ =	task [dreg:s7], $0x5FFFF  }
0xac: {  	[dreg:$0x1] =	wrdreg $0xFFFFFFFF  }
0xad: {  	[dreg:$0x0] =	wrdreg $0x60  }
0xae: {  	[dreg:$0x2] =	wrdreg s2  }
0xaf: {  	[dreg:$0x3] =	wrdreg s24  }
0xb0: {  	[dreg:$0x4] =	wrdreg $0x9  }
0xb1: {  	_ =	task.clear_ibuf [dreg:s7], $0x5FFFF;
	_ =	strace $0x90000046  }
0xb2: {  	s29 =	simm.s32 $0x9;
	_ =	strace $0x80000048  }
0xb3: {  	_ =	swait.ge [sflag:s29], $0x1  }
0xb4: {  	[sflag:s29] =	ssyncadd.s32 $0xFFFFFFFF  }
0xb5: {  	_ =	strace $0x90000048  }
0xb6: {  	_ =	sfence  }
0xb7: {  	s30 =	sld [smem:$0x0];
	_ =	sdelay $0x2  }
0xb8: {  	s31 =	sshll.u32 s1, $0xD;
	s1 =	sshrl.u32 s1, $0x2  }
0xb9: {  	s3 =	sand.u32 $0x4000, s31;
	s1 =	sadd.s32 s1, s30  }
0xba: {  	s0 =	sor.u32 s3, s0;
	s1 =	sshll.u32 s1, $0x11  }
0xbb: {  	s0 =	sor.u32 s1, s0  }
0xbc: {  	s0 =	sadd.s32 $0x8F2B, s0  }
0xbd: {  	[sflag:s0] =	ssyncadd.remote.s32 $0x1  }
0xbe: {  	_ =	sfence.sel $0xFFFF  }
0xbf: {  	[dreg:$0x0] =	wrdreg $0xFFFFFFFF;
	(pc) =	sbr.abs _section_cstart, $3  }
0xc0: {  	[dreg:$0x1] =	wrdreg $0xFFFFFFFF  }
0xc1: {  	_ =	task.clear_ibuf [dreg:s7], $0x2FFFF;
	_ =	strace $0x9FFFFFFF  }
0xc2: {  	(tm) =	ssettm $0x7FFFFFFF  }
0xc3: {  	_ =	shalt  }
tec
execute0_lowered:
.L_overlay_start_1:
0x0: {  	(tag) =	ssettag $0x1  }
0x1: {  	s1 =	stileid.u32  }
0x2: {  	p0 =	sgt.u32 s1, $0x7  }
.Ltmp0:
0x3: {  	_ = 	snop;
	(pc) =	sbr.rel @p0 .LBB2_4-.Ltmp0, $4  }
0x4: {  	s3 =	rddreg [dreg:$0x0]  }
0x5: {  	s4 =	rddreg [dreg:$0x1];
	s2 =	simm.s32 $0x0  }
0x6: {  	[smem:$0x7FF] =	sst s2  }
0x7: {  	s0 =	rddreg [dreg:$0x2];
	_ =	strace $0x80000047  }
0x8: {  	s19 =	simm.s32 $0x100  }
0x9: {  	s20 =	simm.s32 $0x180;
	[dreg:$0x4] =	wrdreg s19  }
0xa: {  	s21 =	simm.s32 $0x200;
	[dreg:$0x5] =	wrdreg s20  }
0xb: {  	s5 =	srdreg.scid;
	s22 =	simm.s32 $0x280;
	[dreg:$0x6] =	wrdreg s21  }
0xc: {  	s18 =	sshll.u32 s1, $0x1;
	s23 =	simm.s32 $0x300;
	[dreg:$0x7] =	wrdreg s22  }
0xd: {  	s24 =	simm.s32 $0x380;
	s7 =	sand.u32 $0x1, s5;
	[dreg:$0x8] =	wrdreg s23  }
0xe: {  	s26 =	simm.s32 $0x400;
	[dreg:$0x9] =	wrdreg s24;
	s5 =	sor.u32 s7, s18  }
0xf: {  	[dreg:$0xa] =	wrdreg s26;
	s6 =	sshll.u32 s5, $0x7;
	s3 =	sadd.s32 s3, s5  }
0x10: {  	s6 =	sadd.s32 s6, s4;
	[dreg:$0x3] =	wrdreg s3  }
0x11: {  	s6 =	sadd.s32 $0xF42E00, s6;
	s25 =	rddreg [dreg:$0x3]  }
0x12: {  	s3 =	simm.s32 $0x2;
	[dreg:$0xb] =	wrdreg s6  }
0x13: {  	[tilespmem:s2], [sflag:$0x2] =	stream.linear.gather [hbm4b:s25+s2], $0x8, $0x38;
	[tilespmem:$0x480] =	vst v63  }
0x14: {  	_ =	swait.ge [sflag:s3], $0x8  }
0x15: {  	[sflag:s3] =	ssyncset.done $0x0  }
0x16: {  	[sflag:s3] =	ssyncadd.s32 $0xFFFFFFF8  }
0x17: {  	v0 =	vld [tilespmem:$0x0];
	_ =	sdelay $0x3  }
0x18: {  	vm0 =	vmmov $0x1  }
0x19: {  	vm1 =	vcmask $0x308;
	v1 =	vnsel vm0, $0x0, v0  }
0x1a: {  	v2 =	vsel vm1, $0x0, v0;
	v1 =	vxor.u32 $0x80000000, v1  }
0x1b: {  	vm2 =	vcmask $0x70C;
	v2 =	vxor.u32 $0x80000000, v2;
	(xrf0) =	vmax.scan.msk.u32 $0xffff, v1  }
0x1c: {  	v3 =	vsel vm2, $0x0, v0;
	(xrf0) =	vmax.scan.msk.u32 $0xffff, v2  }
0x1d: {  	vm3 =	vcmask $0xB10;
	v49 =	vxor.u32 $0x80000000, v3  }
0x1e: {  	v50 =	vsel vm3, $0x0, v0;
	(xrf0) =	vmax.scan.msk.u32 $0xffff, v49  }
0x1f: {  	vm4 =	vcmask $0xF14;
	v1 =	vxor.u32 $0x80000000, v50  }
0x20: {  	v51 =	vsel vm4, $0x0, v0;
	(xrf0) =	vmax.scan.msk.u32 $0xffff, v1  }
0x21: {  	v52 =	vxor.u32 $0x80000000, v51;
	v53, _, _ =	vpop (xrf0)  }
0x22: {  	vm5 =	vcmask $0x1318;
	(xrf0) =	vmax.scan.msk.u32 $0xffff, v52;
	(v2sf) =	vpush v53, $0xF;
	v55, _, _ =	vpop (xrf0)  }
0x23: {  	vm6 =	vcmask $0x171C;
	v54 =	vsel vm5, $0x0, v0;
	(v2sf) =	vpush v55, $0xF  }
0x24: {  	v58 =	vsel vm6, $0x0, v0;
	v56 =	vxor.u32 $0x80000000, v54;
	v57, _, _ =	vpop (xrf0)  }
0x25: {  	vm7 =	vcmask $0x1B20;
	v1 =	vxor.u32 $0x80000000, v58;
	(xrf0) =	vmax.scan.msk.u32 $0xffff, v56;
	(v2sf) =	vpush v57, $0xF  }
0x26: {  	v0 =	vsel vm7, $0x0, v0;
	(xrf0) =	vmax.scan.msk.u32 $0xffff, v1;
	v59, _, _ =	vpop (xrf0)  }
0x27: {  	v0 =	vxor.u32 $0x80000000, v0;
	(v2sf) =	vpush v59, $0xF  }
0x28: {  	(xrf0) =	vmax.scan.msk.u32 $0xffff, v0;
	v60, _, _ =	vpop (xrf0)  }
0x29: {  	(v2sf) =	vpush v60, $0xF;
	_ =	sdelay $0x1  }
0x2a: {  	v61, _, _ =	vpop (xrf0)  }
0x2b: {  	(v2sf) =	vpush v61, $0xF;
	v62, _, _ =	vpop (xrf0)  }
0x2c: {  	(v2sf) =	vpush v62, $0xF  }
0x2d: {  	v63, _, _ =	vpop (xrf0)  }
0x2e: {  	s28 =	rddreg [dreg:$0x8];
	(v2sf) =	vpush v63, $0xF  }
0x2f: {  	s5 =	simm.s32 $0x80;
	s8 =	rddreg [dreg:$0x7]  }
0x30: {  	s4 =	sadd.s32 $0xA00, s4;
	s9 =	rddreg [dreg:$0x6];
	s11 =	spop (v2sf)  }
0x31: {  	s10 =	rddreg [dreg:$0x5];
	s11 =	sshll.u32 s11, $0x4;
	s13 =	spop (v2sf)  }
0x32: {  	s12 =	rddreg [dreg:$0x4];
	s11 =	sand.u32 $0x1FFFFFF0, s11;
	s13 =	sshll.u32 s13, $0x4  }
0x33: {  	s14 =	spop (v2sf);
	s11 =	sadd.s32 s4, s11;
	s13 =	sand.u32 $0x1FFFFFF0, s13  }
0x34: {  	[tilespmem:s5], [sflag:$0x1] =	stream.linear.gather [hbm4b:s11+s2], $0x80, $0x38;
	[tilespmem:$0x480] =	vst v63  }
0x35: {  	s14 =	sshll.u32 s14, $0x4;
	s31 =	spop (v2sf);
	s29 =	sadd.s32 s4, s13  }
0x36: {  	[tilespmem:s12], [sflag:$0x1] =	stream.linear.gather [hbm4b:s29+s2], $0x80, $0x38;
	[tilespmem:$0x480] =	vst v63  }
0x37: {  	s30 =	sand.u32 $0x1FFFFFF0, s14;
	s14 =	sshll.u32 s31, $0x4;
	s15 =	spop (v2sf)  }
0x38: {  	s13 =	sadd.s32 s4, s30;
	s16 =	sand.u32 $0x1FFFFFF0, s14;
	s17 =	sshll.u32 s15, $0x4  }
0x39: {  	[tilespmem:s10], [sflag:$0x1] =	stream.linear.gather [hbm4b:s13+s2], $0x80, $0x38;
	[tilespmem:$0x480] =	vst v63  }
0x3a: {  	s18 =	spop (v2sf);
	s10 =	sadd.s32 s4, s16;
	s11 =	sand.u32 $0x1FFFFFF0, s17  }
0x3b: {  	s12 =	sshll.u32 s18, $0x4;
	s21 =	spop (v2sf);
	s19 =	sadd.s32 s4, s11  }
0x3c: {  	[tilespmem:s9], [sflag:$0x1] =	stream.linear.gather [hbm4b:s10+s2], $0x80, $0x38;
	[tilespmem:$0x480] =	vst v63  }
0x3d: {  	s20 =	sand.u32 $0x1FFFFFF0, s12;
	s11 =	sshll.u32 s21, $0x4;
	s22 =	spop (v2sf)  }
0x3e: {  	[tilespmem:s8], [sflag:$0x1] =	stream.linear.gather [hbm4b:s19+s2], $0x80, $0x38;
	[tilespmem:$0x480] =	vst v63  }
0x3f: {  	s10 =	sadd.s32 s4, s20;
	s23 =	sand.u32 $0x1FFFFFF0, s11;
	s25 =	sshll.u32 s22, $0x4  }
0x40: {  	[tilespmem:s28], [sflag:$0x1] =	stream.linear.gather [hbm4b:s10+s2], $0x80, $0x38;
	[tilespmem:$0x480] =	vst v63  }
0x41: {  	s24 =	rddreg [dreg:$0x9];
	s29 =	sand.u32 $0x1FFFFFF0, s25;
	s28 =	sadd.s32 s4, s23  }
0x42: {  	[tilespmem:s24], [sflag:$0x1] =	stream.linear.gather [hbm4b:s28+s2], $0x80, $0x38;
	[tilespmem:$0x480] =	vst v63  }
0x43: {  	s6 =	simm.s32 $0x1;
	s26 =	rddreg [dreg:$0xa];
	s8 =	sadd.s32 s4, s29  }
0x44: {  	[tilespmem:s26], [sflag:$0x1] =	stream.linear.gather [hbm4b:s8+s2], $0x80, $0x38;
	[tilespmem:$0x480] =	vst v63  }
0x45: {  	_ =	swait.ge [sflag:s6], $0x80  }
0x46: {  	[sflag:s6] =	ssyncset.done $0x0  }
0x47: {  	[sflag:s6] =	ssyncadd.s32 $0xFFFFFF80  }
0x48: {  	_ =	swait.ge [sflag:s6], $0x80  }
0x49: {  	[sflag:s6] =	ssyncset.done $0x0  }
0x4a: {  	[sflag:s6] =	ssyncadd.s32 $0xFFFFFF80  }
0x4b: {  	_ =	swait.ge [sflag:s6], $0x80  }
0x4c: {  	[sflag:s6] =	ssyncset.done $0x0  }
0x4d: {  	[sflag:s6] =	ssyncadd.s32 $0xFFFFFF80  }
0x4e: {  	_ =	swait.ge [sflag:s6], $0x80  }
0x4f: {  	[sflag:s6] =	ssyncset.done $0x0  }
0x50: {  	[sflag:s6] =	ssyncadd.s32 $0xFFFFFF80  }
0x51: {  	_ =	swait.ge [sflag:s6], $0x80  }
0x52: {  	[sflag:s6] =	ssyncset.done $0x0  }
0x53: {  	[sflag:s6] =	ssyncadd.s32 $0xFFFFFF80  }
0x54: {  	s7 =	ssub.s32 $0x2, s7;
	_ =	swait.ge [sflag:s6], $0x80  }
0x55: {  	s30 =	sshrl.u32 s7, $0x1;
	[sflag:s6] =	ssyncset.done $0x0  }
0x56: {  	s7 =	ssub.s32 s7, s30;
	[sflag:s6] =	ssyncadd.s32 $0xFFFFFF80  }
0x57: {  	s7 =	smax.u32 s7, $0x1;
	_ =	swait.ge [sflag:s6], $0x80  }
0x58: {  	p0 =	sne.s32 s7, $0x1;
	[sflag:s6] =	ssyncset.done $0x0  }
.Ltmp1:
0x59: {  	[sflag:s6] =	ssyncadd.s32 $0xFFFFFF80;
	(pc) =	sbr.rel @!p0 .LBB2_3-.Ltmp1, $4  }
0x5a: {  	_ =	swait.ge [sflag:s6], $0x80  }
0x5b: {  	[sflag:s6] =	ssyncset.done $0x0  }
0x5c: {  	s7 =	sadd.s32 $0xFFFFFFFF, s7;
	s31 =	rddreg [dreg:$0xb];
	[sflag:s6] =	ssyncadd.s32 $0xFFFFFF80  }
0x5d: {  	[hbm4b:s31+s2] =	stream.linear.scatter [tilespmem:s5], [sflag:$0x2], $0x400, $0x38;
	[tilespmem:$0x480] =	vst v63  }
.LBB2_2:
0x5e: {  	_ =	swait.ge [sflag:s3], $0x400  }
0x5f: {  	[sflag:s3] =	ssyncset.done $0x0  }
0x60: {  	s8 =	rddreg [dreg:$0x3];
	[sflag:s3] =	ssyncadd.s32 $0xFFFFFC00  }
0x61: {  	[tilespmem:s2], [sflag:$0x2] =	stream.linear.gather [hbm4b:s8+s2], $0x8, $0x38;
	[tilespmem:$0x480] =	vst v63  }
0x62: {  	_ =	swait.ge [sflag:s3], $0x8  }
0x63: {  	[sflag:s3] =	ssyncset.done $0x0  }
0x64: {  	[sflag:s3] =	ssyncadd.s32 $0xFFFFFFF8  }
0x65: {  	v0 =	vld [tilespmem:$0x0];
	_ =	sdelay $0x4  }
0x66: {  	v1 =	vnsel vm0, $0x0, v0  }
0x67: {  	v2 =	vsel vm1, $0x0, v0;
	v1 =	vxor.u32 $0x80000000, v1  }
0x68: {  	v2 =	vxor.u32 $0x80000000, v2;
	(xrf0) =	vmax.scan.msk.u32 $0xffff, v1  }
0x69: {  	v3 =	vsel vm2, $0x0, v0;
	(xrf0) =	vmax.scan.msk.u32 $0xffff, v2  }
0x6a: {  	v3 =	vxor.u32 $0x80000000, v3  }
0x6b: {  	v4 =	vsel vm3, $0x0, v0;
	(xrf0) =	vmax.scan.msk.u32 $0xffff, v3  }
0x6c: {  	v5 =	vsel vm4, $0x0, v0;
	v52 =	vxor.u32 $0x80000000, v4  }
0x6d: {  	v6 =	vsel vm5, $0x0, v0;
	v53 =	vxor.u32 $0x80000000, v5;
	(xrf0) =	vmax.scan.msk.u32 $0xffff, v52  }
0x6e: {  	v54 =	vxor.u32 $0x80000000, v6;
	(xrf0) =	vmax.scan.msk.u32 $0xffff, v53;
	v56, _, _ =	vpop (xrf0)  }
0x6f: {  	v55 =	vsel vm6, $0x0, v0;
	(xrf0) =	vmax.scan.msk.u32 $0xffff, v54;
	(v2sf) =	vpush v56, $0xF;
	v57, _, _ =	vpop (xrf0)  }
0x70: {  	v2 =	vxor.u32 $0x80000000, v55;
	(v2sf) =	vpush v57, $0xF  }
0x71: {  	(xrf0) =	vmax.scan.msk.u32 $0xffff, v2;
	v58, _, _ =	vpop (xrf0)  }
0x72: {  	(v2sf) =	vpush v58, $0xF  }
0x73: {  	v0 =	vsel vm7, $0x0, v0;
	v59, _, _ =	vpop (xrf0)  }
0x74: {  	v0 =	vxor.u32 $0x80000000, v0;
	v60, _, _ =	vpop (xrf0);
	(v2sf) =	vpush v59, $0xF  }
0x75: {  	(xrf0) =	vmax.scan.msk.u32 $0xffff, v0;
	v61, _, _ =	vpop (xrf0);
	(v2sf) =	vpush v60, $0xF  }
0x76: {  	(v2sf) =	vpush v61, $0xF  }
0x77: {  	v62, _, _ =	vpop (xrf0)  }
0x78: {  	(v2sf) =	vpush v62, $0xF;
	_ =	sdelay $0x2  }
0x79: {  	v63, _, _ =	vpop (xrf0)  }
0x7a: {  	s9 =	rddreg [dreg:$0x8];
	(v2sf) =	vpush v63, $0xF  }
0x7b: {  	s10 =	rddreg [dreg:$0x7]  }
0x7c: {  	s11 =	rddreg [dreg:$0x6];
	s13 =	spop (v2sf)  }
0x7d: {  	s12 =	rddreg [dreg:$0x5];
	s13 =	sshll.u32 s13, $0x4;
	s15 =	spop (v2sf)  }
0x7e: {  	s14 =	rddreg [dreg:$0x4];
	s13 =	sand.u32 $0x1FFFFFF0, s13;
	s15 =	sshll.u32 s15, $0x4  }
0x7f: {  	s16 =	spop (v2sf);
	s13 =	sadd.s32 s4, s13;
	s15 =	sand.u32 $0x1FFFFFF0, s15  }
0x80: {  	[tilespmem:s5], [sflag:$0x1] =	stream.linear.gather [hbm4b:s13+s2], $0x80, $0x38;
	[tilespmem:$0x480] =	vst v63  }
0x81: {  	s16 =	sshll.u32 s16, $0x4;
	s31 =	spop (v2sf);
	s29 =	sadd.s32 s4, s15  }
0x82: {  	s30 =	sand.u32 $0x1FFFFFF0, s16;
	s15 =	sshll.u32 s31, $0x4;
	s16 =	spop (v2sf)  }
0x83: {  	s17 =	sand.u32 $0x1FFFFFF0, s15;
	s18 =	sshll.u32 s16, $0x4;
	s19 =	spop (v2sf)  }
0x84: {  	[tilespmem:s14], [sflag:$0x1] =	stream.linear.gather [hbm4b:s29+s2], $0x80, $0x38;
	[tilespmem:$0x480] =	vst v63  }
0x85: {  	s14 =	sadd.s32 s4, s30;
	s13 =	sand.u32 $0x1FFFFFF0, s18;
	s22 =	spop (v2sf)  }
0x86: {  	[tilespmem:s12], [sflag:$0x1] =	stream.linear.gather [hbm4b:s14+s2], $0x80, $0x38;
	[tilespmem:$0x480] =	vst v63  }
0x87: {  	s20 =	sadd.s32 s4, s13;
	s12 =	sadd.s32 s4, s17;
	s14 =	sshll.u32 s19, $0x4  }
0x88: {  	[tilespmem:s11], [sflag:$0x1] =	stream.linear.gather [hbm4b:s12+s2], $0x80, $0x38;
	[tilespmem:$0x480] =	vst v63  }
0x89: {  	s13 =	sshll.u32 s22, $0x4;
	s23 =	spop (v2sf);
	s21 =	sand.u32 $0x1FFFFFF0, s14  }
0x8a: {  	[tilespmem:s10], [sflag:$0x1] =	stream.linear.gather [hbm4b:s20+s2], $0x80, $0x38;
	[tilespmem:$0x480] =	vst v63  }
0x8b: {  	s24 =	sand.u32 $0x1FFFFFF0, s13;
	s26 =	sshll.u32 s23, $0x4;
	s12 =	sadd.s32 s4, s21  }
0x8c: {  	[tilespmem:s9], [sflag:$0x1] =	stream.linear.gather [hbm4b:s12+s2], $0x80, $0x38;
	[tilespmem:$0x480] =	vst v63  }
0x8d: {  	s25 =	rddreg [dreg:$0x9];
	s28 =	sadd.s32 s4, s24;
	s29 =	sand.u32 $0x1FFFFFF0, s26  }
0x8e: {  	[tilespmem:s25], [sflag:$0x1] =	stream.linear.gather [hbm4b:s28+s2], $0x80, $0x38;
	[tilespmem:$0x480] =	vst v63  }
0x8f: {  	s8 =	rddreg [dreg:$0xa];
	s30 =	sadd.s32 s4, s29  }
0x90: {  	[tilespmem:s8], [sflag:$0x1] =	stream.linear.gather [hbm4b:s30+s2], $0x80, $0x38;
	[tilespmem:$0x480] =	vst v63  }
0x91: {  	_ =	swait.ge [sflag:s6], $0x80  }
0x92: {  	[sflag:s6] =	ssyncset.done $0x0  }
0x93: {  	[sflag:s6] =	ssyncadd.s32 $0xFFFFFF80  }
0x94: {  	_ =	swait.ge [sflag:s6], $0x80  }
0x95: {  	[sflag:s6] =	ssyncset.done $0x0  }
0x96: {  	[sflag:s6] =	ssyncadd.s32 $0xFFFFFF80  }
0x97: {  	_ =	swait.ge [sflag:s6], $0x80  }
0x98: {  	[sflag:s6] =	ssyncset.done $0x0  }
0x99: {  	[sflag:s6] =	ssyncadd.s32 $0xFFFFFF80  }
0x9a: {  	_ =	swait.ge [sflag:s6], $0x80  }
0x9b: {  	[sflag:s6] =	ssyncset.done $0x0  }
0x9c: {  	[sflag:s6] =	ssyncadd.s32 $0xFFFFFF80  }
0x9d: {  	_ =	swait.ge [sflag:s6], $0x80  }
0x9e: {  	[sflag:s6] =	ssyncset.done $0x0  }
0x9f: {  	[sflag:s6] =	ssyncadd.s32 $0xFFFFFF80  }
0xa0: {  	_ =	swait.ge [sflag:s6], $0x80  }
0xa1: {  	[sflag:s6] =	ssyncset.done $0x0  }
0xa2: {  	[sflag:s6] =	ssyncadd.s32 $0xFFFFFF80  }
0xa3: {  	_ =	swait.ge [sflag:s6], $0x80  }
0xa4: {  	p0 =	sne.s32 s7, $0x1;
	[sflag:s6] =	ssyncset.done $0x0  }
.Ltmp2:
0xa5: {  	[sflag:s6] =	ssyncadd.s32 $0xFFFFFF80;
	(pc) =	sbr.rel @p0 .LBB2_2-.Ltmp2, $4  }
0xa6: {  	_ =	swait.ge [sflag:s6], $0x80  }
0xa7: {  	[sflag:s6] =	ssyncset.done $0x0  }
0xa8: {  	s7 =	sadd.s32 $0xFFFFFFFF, s7;
	s31 =	rddreg [dreg:$0xb];
	[sflag:s6] =	ssyncadd.s32 $0xFFFFFF80  }
0xa9: {  	[hbm4b:s31+s2] =	stream.linear.scatter [tilespmem:s5], [sflag:$0x2], $0x400, $0x38;
	[tilespmem:$0x480] =	vst v63  }
.LBB2_3:
0xaa: {  	_ =	swait.ge [sflag:s3], $0x400  }
0xab: {  	[sflag:s3] =	ssyncset.done $0x0  }
0xac: {  	[sflag:s3] =	ssyncadd.s32 $0xFFFFFC00  }
.LBB2_4:
0xad: {  	_ =	sfence.sel $0x180000  }
0xae: {  	[bflag:$0x0] =	sbarrier.arrive $0xFFFF  }
0xaf: {  	p0 =	sne.s32 s1, $0x0;
	_ =	strace $0x90000047  }
0xb0: {  	s0 =	sadd.s32 @!p0 $0x100000, s0;
	[bflag:$0x2] =	sbarrier.arrive $0xFFFF  }
0xb1: {  	[sflag:s0] =	ssyncadd.tile.s32 @!p0 $0x1;
	_ =	shalt  }
.Lfunc_end2:
_tile_overlayer_lowered:
.L_overlay_start_2:
0xb2: {  	(tag) =	ssettag $0x2  }
0xb3: {  	s0 =	rddreg [dreg:$0x0];
	s2 =	stileid.u32  }
0xb4: {  	s1 =	rddreg [dreg:$0x1];
	p0 =	sne.s32 s2, $0x0  }
0xb5: {  	s3 =	rddreg [dreg:$0x2];
	[bflag:$0x3] =	sbarrier.arrive $0xFFFF;
	s2 =	simm.s32 @!p0 $0x1C02  }
0xb6: {  	[timem:s3], [sflag:s2] =	dma.local @!p0 [hbm:s0], s1  }
0xb7: {  	s0 =	simm.s32 @!p0 $0x2  }
0xb8: {  	_ =	swait.ge @!p0 [sflag:s0], s1  }
0xb9: {  	s1 =	ssub.s32 @!p0 $0x0, s1;
	[sflag:s0] =	ssyncset.done @!p0 $0x0  }
0xba: {  	[sflag:s0] =	ssyncadd.s32 @!p0 s1  }
0xbb: {  	[bflag:$0x3] =	sbarrier.arrive $0xFFFF  }
0xbc: {  	_ =	shalt  }

</sc_bundles>
